<compile_context>
chip_gen: v7x
topology: tpu7x:2x2x1
jax: 0.10.2.dev20260603
libtpu: 0.0.44.dev20260713+nightly
codegen_flags: <defaults>
</compile_context>

<pallas_src>
import functools

import jax
import jax.numpy as jnp
from jax import lax
from jax.experimental import pallas as pl
from jax.experimental.pallas import tpu as pltpu
from jax.experimental.pallas import tpu_sc as plsc

NC = 2
NS = 16
CHUNK = 128
HALF = 128
ROW_BLK = 400


def _mesh():
    return plsc.VectorSubcoreMesh(
        core_axis_name="c", subcore_axis_name="s", num_cores=NC, num_subcores=NS
    )


def _make_sc_deg(rows_tot, n_acc):
    r_deg = rows_tot // (NC * NS)
    zrows = n_acc // NS

    @functools.partial(
        pl.kernel,
        out_type=jax.ShapeDtypeStruct((NC * n_acc,), jnp.float32),
        mesh=_mesh(),
        scratch_types=[
            pltpu.MemorySpace.VMEM_SHARED((n_acc,), jnp.float32),
            pltpu.VMEM((4, 1, CHUNK), jnp.int32),
            pltpu.VMEM((CHUNK,), jnp.float32),
            pltpu.SemaphoreType.DMA((4,)),
            pltpu.SemaphoreType.DMA((2,)),
        ],
    )
    def sc_deg(dst_hbm, ones_hbm, zed_hbm, deg_out, deg_sh, idx_v, ones_v,
               sem_i, sem_d):
        c = lax.axis_index("c")
        s = lax.axis_index("s")

        pltpu.sync_copy(ones_hbm, ones_v)
        pltpu.sync_copy(zed_hbm, deg_sh.at[pl.ds(s * zrows, zrows)])
        plsc.subcore_barrier()

        wid = c * NS + s
        row0 = wid * r_deg

        def start_idx(j):
            slot = lax.rem(j, 4)
            pltpu.async_copy(dst_hbm.at[row0 + j], idx_v.at[slot], sem_i.at[slot])

        def wait_idx(j):
            slot = lax.rem(j, 4)
            pltpu.make_async_copy(dst_hbm.at[row0], idx_v.at[slot],
                                  sem_i.at[slot]).wait()

        def start_scat(j):
            pltpu.async_copy(ones_v, deg_sh.at[idx_v.at[lax.rem(j, 4), 0]],
                             sem_d.at[lax.rem(j, 2)], add=True)

        def wait_scat(p):
            pltpu.make_async_copy(ones_v, deg_sh.at[idx_v.at[0, 0]],
                                  sem_d.at[p]).wait()

        start_idx(0)
        start_idx(1)

        def body(j, carry):
            @pl.when(j >= 2)
            def _():
                wait_scat(lax.rem(j, 2))

            @pl.when(j + 2 < r_deg)
            def _():
                start_idx(j + 2)

            wait_idx(j)
            start_scat(j)
            return carry

        lax.fori_loop(0, r_deg, body, None)
        wait_scat((r_deg - 2) % 2)
        wait_scat((r_deg - 1) % 2)
        plsc.subcore_barrier()

        @pl.when(s == 0)
        def _():
            pltpu.sync_copy(deg_sh, deg_out.at[pl.ds(c * n_acc, n_acc)])

    return sc_deg


GCH = 128
NRING = 2


def _make_sc_edge(nblk, n_acc):
    orows = n_acc // NS

    @functools.partial(
        pl.kernel,
        out_type=(
            jax.ShapeDtypeStruct((n_acc, HALF), jnp.float32),
            jax.ShapeDtypeStruct((n_acc, HALF), jnp.float32),
        ),
        mesh=_mesh(),
        scratch_types=[
            pltpu.MemorySpace.VMEM_SHARED((n_acc, HALF), jnp.float32),
            pltpu.VMEM((4, 1, GCH), jnp.int32),
            pltpu.VMEM((4, 1, GCH), jnp.int32),
            pltpu.VMEM((NRING, GCH, HALF), jnp.float32),
            pltpu.SemaphoreType.DMA((4,)),
            pltpu.SemaphoreType.DMA((NRING,)),
            pltpu.SemaphoreType.DMA((NRING,)),
        ],
    )
    def sc_edge(src_hbm, dst_hbm, g0_hbm, g1_hbm, zed_hbm, acc0, acc1,
                acc_sh, sidx_v, didx_v, rows_v, sem_i, sem_g, sem_s):
        c = lax.axis_index("c")
        s = lax.axis_index("s")

        def zero_acc(k, carry):
            pltpu.sync_copy(zed_hbm,
                            acc_sh.at[pl.ds(s * orows + k * GCH, GCH)])
            return carry

        lax.fori_loop(0, orows // GCH, zero_acc, None)
        plsc.subcore_barrier()

        row0 = s * nblk

        def start_idx(k):
            slot = lax.rem(k, 4)
            pltpu.async_copy(src_hbm.at[row0 + k], sidx_v.at[slot], sem_i.at[slot])
            pltpu.async_copy(dst_hbm.at[row0 + k], didx_v.at[slot], sem_i.at[slot])

        def wait_idx(k):
            slot = lax.rem(k, 4)
            pltpu.make_async_copy(src_hbm.at[row0], sidx_v.at[slot],
                                  sem_i.at[slot]).wait()
            pltpu.make_async_copy(dst_hbm.at[row0], didx_v.at[slot],
                                  sem_i.at[slot]).wait()

        def start_gather(k, p):
            @pl.when(c == 0)
            def _():
                slot = lax.rem(k, 4)
                pltpu.async_copy(g0_hbm.at[sidx_v.at[slot, 0, pl.ds(0, 64)]],
                                 rows_v.at[p, pl.ds(0, 64)], sem_g.at[p])
                pltpu.async_copy(g0_hbm.at[sidx_v.at[slot, 0, pl.ds(64, 64)]],
                                 rows_v.at[p, pl.ds(64, 64)], sem_g.at[p])

            @pl.when(c == 1)
            def _():
                slot = lax.rem(k, 4)
                pltpu.async_copy(g1_hbm.at[sidx_v.at[slot, 0, pl.ds(0, 64)]],
                                 rows_v.at[p, pl.ds(0, 64)], sem_g.at[p])
                pltpu.async_copy(g1_hbm.at[sidx_v.at[slot, 0, pl.ds(64, 64)]],
                                 rows_v.at[p, pl.ds(64, 64)], sem_g.at[p])

        def wait_gather(p):
            pltpu.make_async_copy(g0_hbm.at[sidx_v.at[0, 0, pl.ds(0, 64)]],
                                  rows_v.at[p, pl.ds(0, 64)], sem_g.at[p]).wait()
            pltpu.make_async_copy(g0_hbm.at[sidx_v.at[0, 0, pl.ds(64, 64)]],
                                  rows_v.at[p, pl.ds(64, 64)], sem_g.at[p]).wait()

        def start_scatter(k, p):
            pltpu.async_copy(rows_v.at[p], acc_sh.at[didx_v.at[lax.rem(k, 4), 0]],
                             sem_s.at[p], add=True)

        def wait_scatter(p):
            pltpu.make_async_copy(rows_v.at[p],
                                  acc_sh.at[didx_v.at[0, 0]],
                                  sem_s.at[p]).wait()

        start_idx(0)
        start_idx(1)

        def body(k, carry):
            p = lax.rem(k, 2)
            q = 1 - p

            @pl.when(k >= 2)
            def _():
                wait_scatter(p)

            @pl.when(k + 2 < nblk)
            def _():
                start_idx(k + 2)

            wait_idx(k)
            start_gather(k, p)

            @pl.when(k >= 1)
            def _():
                wait_gather(q)
                start_scatter(k - 1, q)

            return carry

        lax.fori_loop(0, nblk, body, None)

        last = nblk - 1
        pl_last = last % 2
        wait_gather(pl_last)
        start_scatter(last, pl_last)
        wait_scatter(1 - pl_last)
        wait_scatter(pl_last)
        plsc.subcore_barrier()

        @pl.when(c == 0)
        def _():
            pltpu.sync_copy(acc_sh.at[pl.ds(s * orows, orows)],
                            acc0.at[pl.ds(s * orows, orows)])

        @pl.when(c == 1)
        def _():
            pltpu.sync_copy(acc_sh.at[pl.ds(s * orows, orows)],
                            acc1.at[pl.ds(s * orows, orows)])

    return sc_edge


def _tc_transform(x, W, deg0, deg1):
    n, d_in = x.shape
    d_h = W.shape[1]

    def body(x_ref, w_ref, d0_ref, d1_ref, g0_ref, g1_ref):
        dinv = lax.rsqrt(d0_ref[...] + d1_ref[...] + 1.0)
        h = jnp.dot(x_ref[...], w_ref[...], preferred_element_type=jnp.float32)
        g = h * dinv
        g0_ref[...] = g[:, :HALF]
        g1_ref[...] = g[:, HALF:]

    return pl.pallas_call(
        body,
        grid=(n // ROW_BLK,),
        in_specs=[
            pl.BlockSpec((ROW_BLK, d_in), lambda i: (i, 0)),
            pl.BlockSpec((d_in, d_h), lambda i: (0, 0)),
            pl.BlockSpec((ROW_BLK, 1), lambda i: (i, 0)),
            pl.BlockSpec((ROW_BLK, 1), lambda i: (i, 0)),
        ],
        out_specs=[
            pl.BlockSpec((ROW_BLK, HALF), lambda i: (i, 0)),
            pl.BlockSpec((ROW_BLK, HALF), lambda i: (i, 0)),
        ],
        out_shape=[jax.ShapeDtypeStruct((n, HALF), jnp.float32)] * 2,
    )(x, W, deg0, deg1)


def _tc_finish(acc0, acc1, g0, g1, deg0, deg1, b2, a2):
    n = g0.shape[0]
    d_h = b2.shape[1]

    def body(a0_ref, a1_ref, g0_ref, g1_ref, d0_ref, d1_ref, b_ref, al_ref, o_ref):
        dinv = lax.rsqrt(d0_ref[...] + d1_ref[...] + 1.0)
        left = a0_ref[...] + g0_ref[...]
        right = a1_ref[...] + g1_ref[...]
        pre = jnp.concatenate([left, right], axis=1) * dinv + b_ref[...]
        o_ref[...] = jnp.where(pre > 0, pre, al_ref[...] * pre)

    return pl.pallas_call(
        body,
        grid=(n // ROW_BLK,),
        in_specs=[
            pl.BlockSpec((ROW_BLK, HALF), lambda i: (i, 0)),
            pl.BlockSpec((ROW_BLK, HALF), lambda i: (i, 0)),
            pl.BlockSpec((ROW_BLK, HALF), lambda i: (i, 0)),
            pl.BlockSpec((ROW_BLK, HALF), lambda i: (i, 0)),
            pl.BlockSpec((ROW_BLK, 1), lambda i: (i, 0)),
            pl.BlockSpec((ROW_BLK, 1), lambda i: (i, 0)),
            pl.BlockSpec((1, d_h), lambda i: (0, 0)),
            pl.BlockSpec((1, d_h), lambda i: (0, 0)),
        ],
        out_specs=pl.BlockSpec((ROW_BLK, d_h), lambda i: (i, 0)),
        out_shape=jax.ShapeDtypeStruct((n, d_h), jnp.float32),
    )(acc0, acc1, g0, g1, deg0, deg1, b2, a2)


def kernel(x, edge_index, W, b, alpha):
    n = x.shape[0]
    src = edge_index[0].astype(jnp.int32)
    dst = edge_index[1].astype(jnp.int32)
    e = src.shape[0]

    quantum = NC * NS * CHUNK
    e_pad = ((e + quantum - 1) // quantum) * quantum
    pad = e_pad - e
    src_p = jnp.concatenate([src, jnp.zeros((pad,), jnp.int32)])
    dst_p = jnp.concatenate([dst, jnp.full((pad,), n, jnp.int32)])
    rows_tot = e_pad // CHUNK

    n_acc = ((n + 1 + NS * 16 - 1) // (NS * 16)) * (NS * 16)

    src3 = src_p.reshape(-1, 1, CHUNK)
    dst3 = dst_p.reshape(-1, 1, CHUNK)

    ones1 = jnp.ones((CHUNK,), jnp.float32)
    zed1 = jnp.zeros((n_acc // NS,), jnp.float32)
    zed2 = jnp.zeros((GCH, HALF), jnp.float32)

    deg_flat = _make_sc_deg(rows_tot, n_acc)(dst3, ones1, zed1)
    deg0 = deg_flat[:n].reshape(n, 1)
    deg1 = deg_flat[n_acc:n_acc + n].reshape(n, 1)

    g0, g1 = _tc_transform(x, W, deg0, deg1)
    chunks_per_tile = e_pad // (NS * CHUNK)
    acc0, acc1 = _make_sc_edge(chunks_per_tile, n_acc)(src3, dst3, g0, g1, zed2)
    out = _tc_finish(acc0, acc1, g0, g1, deg0, deg1,
                     b.reshape(1, -1), alpha.reshape(1, -1))
    return out

# --- scband reference (transcript-rebuilt; emitter-appended) ---
"""Pipeline reference for scband-encoder-47974784696745 (READ-ONLY COPY).

The authoritative reference and input builder live on the scoring server;
editing this copy changes nothing except your own understanding.
"""

import jax, jax.numpy as jnp
import numpy as np

N = 10000
E = 320000
D_IN = 128
D_H = 256

def setup_inputs(seed: int = 0) -> dict:
    key = jax.random.key(seed)
    k1, k2, k3, k4 = jax.random.split(key, 4)
    x = jax.random.normal(k1, (N, D_IN), dtype=jnp.float32)
    edge_index = jax.random.randint(k2, (2, E), 0, N)
    W = jax.random.normal(k3, (D_IN, D_H), dtype=jnp.float32) * (1.0 / np.sqrt(D_IN))
    b = jnp.zeros((D_H,), dtype=jnp.float32)
    alpha = jnp.full((D_H,), 0.25, dtype=jnp.float32)
    return {"x": x, "edge_index": edge_index, "W": W, "b": b, "alpha": alpha}

def reference(x, edge_index, W, b, alpha):
    n = x.shape[0]
    src = edge_index[0]
    dst = edge_index[1]
    # add self-loops (GCNConv default)
    loop = jnp.arange(n, dtype=src.dtype)
    src = jnp.concatenate([src, loop], axis=0)
    dst = jnp.concatenate([dst, loop], axis=0)
    # linear transform
    h = x @ W
    # symmetric normalization: deg from in-edges (col/dst), weights = 1
    deg = jnp.zeros((n,), dtype=jnp.float32).at[dst].add(1.0)
    dinv = jnp.where(deg > 0, 1.0 / jnp.sqrt(deg), 0.0)
    norm = dinv[src] * dinv[dst]
    msg = h[src] * norm[:, None]
    out = jax.ops.segment_sum(msg, dst, num_segments=n)
    out = out + b
    # PReLU with per-channel alpha
    out = jnp.where(out > 0, out, alpha * out)
    return out

if __name__ == "__main__":
    import jax
    _d = setup_inputs()
    print(jax.jit(kernel)(*tuple(_d.values())))

</pallas_src>

<mosaic_0001>
#map = affine_map<(d0, d1) -> (0, 0, 0)>
#map1 = affine_map<(d0, d1) -> (0, 0)>
module attributes {stable_mosaic.version = 14 : i64} {
  func.func @sc_edge(%arg0: i32, %arg1: i32, %arg2: memref<2528x1x128xi32, #tpu.memory_space<hbm>>, %arg3: memref<2528x1x128xi32, #tpu.memory_space<hbm>>, %arg4: memref<10000x128xf32, #tpu.memory_space<hbm>>, %arg5: memref<10000x128xf32, #tpu.memory_space<hbm>>, %arg6: memref<128x128xf32, #tpu.memory_space<hbm>>, %arg7: memref<10240x128xf32, #tpu.memory_space<hbm>>, %arg8: memref<10240x128xf32, #tpu.memory_space<hbm>>, %arg9: memref<10240x128xf32, #tpu.memory_space<vmem_shared>>, %arg10: memref<4x1x128xi32, #tpu.memory_space<vmem>>, %arg11: memref<4x1x128xi32, #tpu.memory_space<vmem>>, %arg12: memref<2x128x128xf32, #tpu.memory_space<vmem>>, %arg13: memref<4x!tpu.dma_semaphore, #tpu.memory_space<semaphore_mem>>, %arg14: memref<2x!tpu.dma_semaphore, #tpu.memory_space<semaphore_mem>>, %arg15: memref<2x!tpu.dma_semaphore, #tpu.memory_space<semaphore_mem>>) attributes {dimension_semantics = [#tpu.dimension_semantics<core_parallel>, #tpu.dimension_semantics<subcore_parallel>], iteration_bounds = array<i64: 2, 16>, scalar_prefetch = 0 : i64, scratch_operands = 7 : i64, tpu.core_type = #tpu.core_type<sc_vector_subcore>, window_params = [{transform_indices = #map}, {transform_indices = #map}, {transform_indices = #map1}, {transform_indices = #map1}, {transform_indices = #map1}, {transform_indices = #map1}, {transform_indices = #map1}]} {
    %scan3A = arith.constant 0 : i32
    %scan3A_0 = arith.constant 5 : i32
    %scan3A_1 = arith.addi %scan3A, %scan3A_0 : i32
    %scan3A_2 = arith.constant 1 : i32
    scf.for %scan3A_182 = %scan3A to %scan3A_1 step %scan3A_2  : i32 {
      %mul3A_183 = arith.constant 640 : i32
      %mul3A_184 = arith.muli %arg1, %mul3A_183 : i32
      %mul3A_185 = arith.constant 128 : i32
      %mul3A_186 = arith.muli %scan3A_182, %mul3A_185 : i32
      %add3A_187 = arith.addi %mul3A_184, %mul3A_186 : i32
      "tpu.region"() ({
        %run_scoped3A = tpu.sem_alloc : memref<!tpu.dma_semaphore, #tpu.memory_space<semaphore_mem>>
        %dma_start3A_188 = arith.constant 0 : i32
        %dma_start3A_189 = tpu.memref_slice %arg9[%add3A_187, %dma_start3A_188] : memref<10240x128xf32, #tpu.memory_space<vmem_shared>> -> memref<128x128xf32, #tpu.memory_space<vmem_shared>>
        tpu.enqueue_dma source(%arg6 : memref<128x128xf32, #tpu.memory_space<hbm>>) target(%dma_start3A_189 : memref<128x128xf32, #tpu.memory_space<vmem_shared>>) target_semaphore(%run_scoped3A : memref<!tpu.dma_semaphore, #tpu.memory_space<semaphore_mem>>)
        %dma_wait3A_190 = arith.constant 0 : i32
        %dma_wait3A_191 = tpu.memref_slice %arg9[%add3A_187, %dma_wait3A_190] : memref<10240x128xf32, #tpu.memory_space<vmem_shared>> -> memref<128x128xf32, #tpu.memory_space<vmem_shared>>
        tpu.wait_dma2 semaphore(%run_scoped3A : memref<!tpu.dma_semaphore, #tpu.memory_space<semaphore_mem>>) src(%arg6 : memref<128x128xf32, #tpu.memory_space<hbm>>) dst(%dma_wait3A_191 : memref<128x128xf32, #tpu.memory_space<vmem_shared>>)
        tpu.yield
      }) : () -> ()
    }
    %scan3A_3 = arith.constant 5 : i32
    %barrier3A = arith.constant 0 : index
    tpu.barrier barrier_id(%barrier3A)
    %mul3A = arith.constant 158 : i32
    %mul3A_4 = arith.muli %arg1, %mul3A : i32
    %rem3A = arith.constant 0 : i32
    %rem3A_5 = arith.constant 4 : i32
    %rem3A_6 = arith.remsi %rem3A, %rem3A_5 : i32
    %add3A = arith.constant 0 : i32
    %add3A_7 = arith.addi %mul3A_4, %add3A : i32
    %dma_start3A = arith.constant 0 : i32
    %dma_start3A_8 = arith.constant 0 : i32
    %dma_start3A_9 = tpu.memref_slice %arg10[%rem3A_6, %dma_start3A, %dma_start3A_8] : memref<4x1x128xi32, #tpu.memory_space<vmem>> -> memref<1x1x128xi32, #tpu.memory_space<vmem>>
    %dma_start3A_10 = tpu.memref_squeeze %dma_start3A_9 : memref<1x1x128xi32, #tpu.memory_space<vmem>> -> memref<1x128xi32, #tpu.memory_space<vmem>>
    %dma_start3A_11 = arith.constant 0 : i32
    %dma_start3A_12 = arith.constant 0 : i32
    %dma_start3A_13 = tpu.memref_slice %arg2[%add3A_7, %dma_start3A_11, %dma_start3A_12] : memref<2528x1x128xi32, #tpu.memory_space<hbm>> -> memref<1x1x128xi32, #tpu.memory_space<hbm>>
    %dma_start3A_14 = tpu.memref_squeeze %dma_start3A_13 : memref<1x1x128xi32, #tpu.memory_space<hbm>> -> memref<1x128xi32, #tpu.memory_space<hbm>>
    %dma_start3A_15 = tpu.memref_slice %arg13[%rem3A_6] : memref<4x!tpu.dma_semaphore, #tpu.memory_space<semaphore_mem>> -> memref<1x!tpu.dma_semaphore, #tpu.memory_space<semaphore_mem>>
    %dma_start3A_16 = tpu.memref_squeeze %dma_start3A_15 : memref<1x!tpu.dma_semaphore, #tpu.memory_space<semaphore_mem>> -> memref<!tpu.dma_semaphore, #tpu.memory_space<semaphore_mem>>
    %dma_start3A_17 = arith.constant 0 : i32
    %dma_start3A_18 = arith.constant 0 : i32
    %dma_start3A_19 = tpu.memref_slice %arg10[%rem3A_6, %dma_start3A_17, %dma_start3A_18] : memref<4x1x128xi32, #tpu.memory_space<vmem>> -> memref<1x1x128xi32, #tpu.memory_space<vmem>>
    %dma_start3A_20 = tpu.memref_squeeze %dma_start3A_19 : memref<1x1x128xi32, #tpu.memory_space<vmem>> -> memref<1x128xi32, #tpu.memory_space<vmem>>
    %dma_start3A_21 = arith.constant 0 : i32
    %dma_start3A_22 = arith.constant 0 : i32
    %dma_start3A_23 = tpu.memref_slice %arg2[%add3A_7, %dma_start3A_21, %dma_start3A_22] : memref<2528x1x128xi32, #tpu.memory_space<hbm>> -> memref<1x1x128xi32, #tpu.memory_space<hbm>>
    %dma_start3A_24 = tpu.memref_squeeze %dma_start3A_23 : memref<1x1x128xi32, #tpu.memory_space<hbm>> -> memref<1x128xi32, #tpu.memory_space<hbm>>
    tpu.enqueue_dma source(%dma_start3A_24 : memref<1x128xi32, #tpu.memory_space<hbm>>) target(%dma_start3A_20 : memref<1x128xi32, #tpu.memory_space<vmem>>) target_semaphore(%dma_start3A_16 : memref<!tpu.dma_semaphore, #tpu.memory_space<semaphore_mem>>)
    %add3A_25 = arith.constant 0 : i32
    %add3A_26 = arith.addi %mul3A_4, %add3A_25 : i32
    %dma_start3A_27 = arith.constant 0 : i32
    %dma_start3A_28 = arith.constant 0 : i32
    %dma_start3A_29 = tpu.memref_slice %arg11[%rem3A_6, %dma_start3A_27, %dma_start3A_28] : memref<4x1x128xi32, #tpu.memory_space<vmem>> -> memref<1x1x128xi32, #tpu.memory_space<vmem>>
    %dma_start3A_30 = tpu.memref_squeeze %dma_start3A_29 : memref<1x1x128xi32, #tpu.memory_space<vmem>> -> memref<1x128xi32, #tpu.memory_space<vmem>>
    %dma_start3A_31 = arith.constant 0 : i32
    %dma_start3A_32 = arith.constant 0 : i32
    %dma_start3A_33 = tpu.memref_slice %arg3[%add3A_26, %dma_start3A_31, %dma_start3A_32] : memref<2528x1x128xi32, #tpu.memory_space<hbm>> -> memref<1x1x128xi32, #tpu.memory_space<hbm>>
    %dma_start3A_34 = tpu.memref_squeeze %dma_start3A_33 : memref<1x1x128xi32, #tpu.memory_space<hbm>> -> memref<1x128xi32, #tpu.memory_space<hbm>>
    %dma_start3A_35 = tpu.memref_slice %arg13[%rem3A_6] : memref<4x!tpu.dma_semaphore, #tpu.memory_space<semaphore_mem>> -> memref<1x!tpu.dma_semaphore, #tpu.memory_space<semaphore_mem>>
    %dma_start3A_36 = tpu.memref_squeeze %dma_start3A_35 : memref<1x!tpu.dma_semaphore, #tpu.memory_space<semaphore_mem>> -> memref<!tpu.dma_semaphore, #tpu.memory_space<semaphore_mem>>
    %dma_start3A_37 = arith.constant 0 : i32
    %dma_start3A_38 = arith.constant 0 : i32
    %dma_start3A_39 = tpu.memref_slice %arg11[%rem3A_6, %dma_start3A_37, %dma_start3A_38] : memref<4x1x128xi32, #tpu.memory_space<vmem>> -> memref<1x1x128xi32, #tpu.memory_space<vmem>>
    %dma_start3A_40 = tpu.memref_squeeze %dma_start3A_39 : memref<1x1x128xi32, #tpu.memory_space<vmem>> -> memref<1x128xi32, #tpu.memory_space<vmem>>
    %dma_start3A_41 = arith.constant 0 : i32
    %dma_start3A_42 = arith.constant 0 : i32
    %dma_start3A_43 = tpu.memref_slice %arg3[%add3A_26, %dma_start3A_41, %dma_start3A_42] : memref<2528x1x128xi32, #tpu.memory_space<hbm>> -> memref<1x1x128xi32, #tpu.memory_space<hbm>>
    %dma_start3A_44 = tpu.memref_squeeze %dma_start3A_43 : memref<1x1x128xi32, #tpu.memory_space<hbm>> -> memref<1x128xi32, #tpu.memory_space<hbm>>
    tpu.enqueue_dma source(%dma_start3A_44 : memref<1x128xi32, #tpu.memory_space<hbm>>) target(%dma_start3A_40 : memref<1x128xi32, #tpu.memory_space<vmem>>) target_semaphore(%dma_start3A_36 : memref<!tpu.dma_semaphore, #tpu.memory_space<semaphore_mem>>)
    %rem3A_45 = arith.constant 1 : i32
    %rem3A_46 = arith.constant 4 : i32
    %rem3A_47 = arith.remsi %rem3A_45, %rem3A_46 : i32
    %add3A_48 = arith.constant 1 : i32
    %add3A_49 = arith.addi %mul3A_4, %add3A_48 : i32
    %dma_start3A_50 = arith.constant 0 : i32
    %dma_start3A_51 = arith.constant 0 : i32
    %dma_start3A_52 = tpu.memref_slice %arg10[%rem3A_47, %dma_start3A_50, %dma_start3A_51] : memref<4x1x128xi32, #tpu.memory_space<vmem>> -> memref<1x1x128xi32, #tpu.memory_space<vmem>>
    %dma_start3A_53 = tpu.memref_squeeze %dma_start3A_52 : memref<1x1x128xi32, #tpu.memory_space<vmem>> -> memref<1x128xi32, #tpu.memory_space<vmem>>
    %dma_start3A_54 = arith.constant 0 : i32
    %dma_start3A_55 = arith.constant 0 : i32
    %dma_start3A_56 = tpu.memref_slice %arg2[%add3A_49, %dma_start3A_54, %dma_start3A_55] : memref<2528x1x128xi32, #tpu.memory_space<hbm>> -> memref<1x1x128xi32, #tpu.memory_space<hbm>>
    %dma_start3A_57 = tpu.memref_squeeze %dma_start3A_56 : memref<1x1x128xi32, #tpu.memory_space<hbm>> -> memref<1x128xi32, #tpu.memory_space<hbm>>
    %dma_start3A_58 = tpu.memref_slice %arg13[%rem3A_47] : memref<4x!tpu.dma_semaphore, #tpu.memory_space<semaphore_mem>> -> memref<1x!tpu.dma_semaphore, #tpu.memory_space<semaphore_mem>>
    %dma_start3A_59 = tpu.memref_squeeze %dma_start3A_58 : memref<1x!tpu.dma_semaphore, #tpu.memory_space<semaphore_mem>> -> memref<!tpu.dma_semaphore, #tpu.memory_space<semaphore_mem>>
    %dma_start3A_60 = arith.constant 0 : i32
    %dma_start3A_61 = arith.constant 0 : i32
    %dma_start3A_62 = tpu.memref_slice %arg10[%rem3A_47, %dma_start3A_60, %dma_start3A_61] : memref<4x1x128xi32, #tpu.memory_space<vmem>> -> memref<1x1x128xi32, #tpu.memory_space<vmem>>
    %dma_start3A_63 = tpu.memref_squeeze %dma_start3A_62 : memref<1x1x128xi32, #tpu.memory_space<vmem>> -> memref<1x128xi32, #tpu.memory_space<vmem>>
    %dma_start3A_64 = arith.constant 0 : i32
    %dma_start3A_65 = arith.constant 0 : i32
    %dma_start3A_66 = tpu.memref_slice %arg2[%add3A_49, %dma_start3A_64, %dma_start3A_65] : memref<2528x1x128xi32, #tpu.memory_space<hbm>> -> memref<1x1x128xi32, #tpu.memory_space<hbm>>
    %dma_start3A_67 = tpu.memref_squeeze %dma_start3A_66 : memref<1x1x128xi32, #tpu.memory_space<hbm>> -> memref<1x128xi32, #tpu.memory_space<hbm>>
    tpu.enqueue_dma source(%dma_start3A_67 : memref<1x128xi32, #tpu.memory_space<hbm>>) target(%dma_start3A_63 : memref<1x128xi32, #tpu.memory_space<vmem>>) target_semaphore(%dma_start3A_59 : memref<!tpu.dma_semaphore, #tpu.memory_space<semaphore_mem>>)
    %add3A_68 = arith.constant 1 : i32
    %add3A_69 = arith.addi %mul3A_4, %add3A_68 : i32
    %dma_start3A_70 = arith.constant 0 : i32
    %dma_start3A_71 = arith.constant 0 : i32
    %dma_start3A_72 = tpu.memref_slice %arg11[%rem3A_47, %dma_start3A_70, %dma_start3A_71] : memref<4x1x128xi32, #tpu.memory_space<vmem>> -> memref<1x1x128xi32, #tpu.memory_space<vmem>>
    %dma_start3A_73 = tpu.memref_squeeze %dma_start3A_72 : memref<1x1x128xi32, #tpu.memory_space<vmem>> -> memref<1x128xi32, #tpu.memory_space<vmem>>
    %dma_start3A_74 = arith.constant 0 : i32
    %dma_start3A_75 = arith.constant 0 : i32
    %dma_start3A_76 = tpu.memref_slice %arg3[%add3A_69, %dma_start3A_74, %dma_start3A_75] : memref<2528x1x128xi32, #tpu.memory_space<hbm>> -> memref<1x1x128xi32, #tpu.memory_space<hbm>>
    %dma_start3A_77 = tpu.memref_squeeze %dma_start3A_76 : memref<1x1x128xi32, #tpu.memory_space<hbm>> -> memref<1x128xi32, #tpu.memory_space<hbm>>
    %dma_start3A_78 = tpu.memref_slice %arg13[%rem3A_47] : memref<4x!tpu.dma_semaphore, #tpu.memory_space<semaphore_mem>> -> memref<1x!tpu.dma_semaphore, #tpu.memory_space<semaphore_mem>>
    %dma_start3A_79 = tpu.memref_squeeze %dma_start3A_78 : memref<1x!tpu.dma_semaphore, #tpu.memory_space<semaphore_mem>> -> memref<!tpu.dma_semaphore, #tpu.memory_space<semaphore_mem>>
    %dma_start3A_80 = arith.constant 0 : i32
    %dma_start3A_81 = arith.constant 0 : i32
    %dma_start3A_82 = tpu.memref_slice %arg11[%rem3A_47, %dma_start3A_80, %dma_start3A_81] : memref<4x1x128xi32, #tpu.memory_space<vmem>> -> memref<1x1x128xi32, #tpu.memory_space<vmem>>
    %dma_start3A_83 = tpu.memref_squeeze %dma_start3A_82 : memref<1x1x128xi32, #tpu.memory_space<vmem>> -> memref<1x128xi32, #tpu.memory_space<vmem>>
    %dma_start3A_84 = arith.constant 0 : i32
    %dma_start3A_85 = arith.constant 0 : i32
    %dma_start3A_86 = tpu.memref_slice %arg3[%add3A_69, %dma_start3A_84, %dma_start3A_85] : memref<2528x1x128xi32, #tpu.memory_space<hbm>> -> memref<1x1x128xi32, #tpu.memory_space<hbm>>
    %dma_start3A_87 = tpu.memref_squeeze %dma_start3A_86 : memref<1x1x128xi32, #tpu.memory_space<hbm>> -> memref<1x128xi32, #tpu.memory_space<hbm>>
    tpu.enqueue_dma source(%dma_start3A_87 : memref<1x128xi32, #tpu.memory_space<hbm>>) target(%dma_start3A_83 : memref<1x128xi32, #tpu.memory_space<vmem>>) target_semaphore(%dma_start3A_79 : memref<!tpu.dma_semaphore, #tpu.memory_space<semaphore_mem>>)
    %scan3A_88 = arith.constant 0 : i32
    %scan3A_89 = arith.constant 158 : i32
    %scan3A_90 = arith.addi %scan3A_88, %scan3A_89 : i32
    %scan3A_91 = arith.constant 1 : i32
    scf.for %scan3A_182 = %scan3A_88 to %scan3A_90 step %scan3A_91  : i32 {
      %rem3A_183 = arith.constant 2 : i32
      %rem3A_184 = arith.remsi %scan3A_182, %rem3A_183 : i32
      %sub3A = arith.constant 1 : i32
      %sub3A_185 = arith.subi %sub3A, %rem3A_184 : i32
      %ge3A = arith.constant 2 : i32
      %ge3A_186 = arith.cmpi sge, %scan3A_182, %ge3A : i32
      %convert_element_type3A_187 = arith.extui %ge3A_186 : i1 to i32
      %cond3A_188 = arith.constant 0 : i32
      %cond3A_189 = arith.cmpi ne, %convert_element_type3A_187, %cond3A_188 : i32
      scf.if %cond3A_189 {
        %dma_wait3A_249 = arith.constant 0 : i32
        %dma_wait3A_250 = arith.constant 0 : i32
        %dma_wait3A_251 = arith.constant 0 : i32
        %dma_wait3A_252 = arith.constant 0 : i32
        %dma_wait3A_253 = tpu.memref_slice %arg12[%rem3A_184, %dma_wait3A_251, %dma_wait3A_252] : memref<2x128x128xf32, #tpu.memory_space<vmem>> -> memref<1x128x128xf32, #tpu.memory_space<vmem>>
        %dma_wait3A_254 = tpu.memref_squeeze %dma_wait3A_253 : memref<1x128x128xf32, #tpu.memory_space<vmem>> -> memref<128x128xf32, #tpu.memory_space<vmem>>
        %dma_wait3A_255 = arith.constant 0 : i32
        %dma_wait3A_256 = tpu.memref_slice %arg11[%dma_wait3A_249, %dma_wait3A_250, %dma_wait3A_255] : memref<4x1x128xi32, #tpu.memory_space<vmem>> -> memref<1x1x128xi32, #tpu.memory_space<vmem>>
        %dma_wait3A_257 = tpu.memref_squeeze %dma_wait3A_256 : memref<1x1x128xi32, #tpu.memory_space<vmem>> -> memref<128xi32, #tpu.memory_space<vmem>>
        %dma_wait3A_258 = arith.constant 0 : i32
        %dma_wait3A_259 = arith.constant 0 : i32
        %dma_wait3A_260 = tpu.memref_slice %arg9[%dma_wait3A_258, %dma_wait3A_259] : memref<10240x128xf32, #tpu.memory_space<vmem_shared>> -> memref<10240x128xf32, #tpu.memory_space<vmem_shared>>
        %dma_wait3A_261 = tpu.memref_slice %arg15[%rem3A_184] : memref<2x!tpu.dma_semaphore, #tpu.memory_space<semaphore_mem>> -> memref<1x!tpu.dma_semaphore, #tpu.memory_space<semaphore_mem>>
        %dma_wait3A_262 = tpu.memref_squeeze %dma_wait3A_261 : memref<1x!tpu.dma_semaphore, #tpu.memory_space<semaphore_mem>> -> memref<!tpu.dma_semaphore, #tpu.memory_space<semaphore_mem>>
        tpu.wait_indirect_dma semaphore(%dma_wait3A_262 : memref<!tpu.dma_semaphore, #tpu.memory_space<semaphore_mem>>) src(%dma_wait3A_254 : memref<128x128xf32, #tpu.memory_space<vmem>>) dst(%dma_wait3A_260 : memref<10240x128xf32, #tpu.memory_space<vmem_shared>>)
      } else {
      }
      %add3A_190 = arith.constant 2 : i32
      %add3A_191 = arith.addi %scan3A_182, %add3A_190 : i32
      %lt3A = arith.constant 158 : i32
      %lt3A_192 = arith.cmpi slt, %add3A_191, %lt3A : i32
      %convert_element_type3A_193 = arith.extui %lt3A_192 : i1 to i32
      %cond3A_194 = arith.constant 0 : i32
      %cond3A_195 = arith.cmpi ne, %convert_element_type3A_193, %cond3A_194 : i32
      scf.if %cond3A_195 {
        %add3A_249 = arith.constant 2 : i32
        %add3A_250 = arith.addi %scan3A_182, %add3A_249 : i32
        %rem3A_251 = arith.constant 4 : i32
        %rem3A_252 = arith.remsi %add3A_250, %rem3A_251 : i32
        %add3A_253 = arith.addi %mul3A_4, %add3A_250 : i32
        %dma_start3A_254 = arith.constant 0 : i32
        %dma_start3A_255 = arith.constant 0 : i32
        %dma_start3A_256 = tpu.memref_slice %arg10[%rem3A_252, %dma_start3A_254, %dma_start3A_255] : memref<4x1x128xi32, #tpu.memory_space<vmem>> -> memref<1x1x128xi32, #tpu.memory_space<vmem>>
        %dma_start3A_257 = tpu.memref_squeeze %dma_start3A_256 : memref<1x1x128xi32, #tpu.memory_space<vmem>> -> memref<1x128xi32, #tpu.memory_space<vmem>>
        %dma_start3A_258 = arith.constant 0 : i32
        %dma_start3A_259 = arith.constant 0 : i32
        %dma_start3A_260 = tpu.memref_slice %arg2[%add3A_253, %dma_start3A_258, %dma_start3A_259] : memref<2528x1x128xi32, #tpu.memory_space<hbm>> -> memref<1x1x128xi32, #tpu.memory_space<hbm>>
        %dma_start3A_261 = tpu.memref_squeeze %dma_start3A_260 : memref<1x1x128xi32, #tpu.memory_space<hbm>> -> memref<1x128xi32, #tpu.memory_space<hbm>>
        %dma_start3A_262 = tpu.memref_slice %arg13[%rem3A_252] : memref<4x!tpu.dma_semaphore, #tpu.memory_space<semaphore_mem>> -> memref<1x!tpu.dma_semaphore, #tpu.memory_space<semaphore_mem>>
        %dma_start3A_263 = tpu.memref_squeeze %dma_start3A_262 : memref<1x!tpu.dma_semaphore, #tpu.memory_space<semaphore_mem>> -> memref<!tpu.dma_semaphore, #tpu.memory_space<semaphore_mem>>
        %dma_start3A_264 = arith.constant 0 : i32
        %dma_start3A_265 = arith.constant 0 : i32
        %dma_start3A_266 = tpu.memref_slice %arg10[%rem3A_252, %dma_start3A_264, %dma_start3A_265] : memref<4x1x128xi32, #tpu.memory_space<vmem>> -> memref<1x1x128xi32, #tpu.memory_space<vmem>>
        %dma_start3A_267 = tpu.memref_squeeze %dma_start3A_266 : memref<1x1x128xi32, #tpu.memory_space<vmem>> -> memref<1x128xi32, #tpu.memory_space<vmem>>
        %dma_start3A_268 = arith.constant 0 : i32
        %dma_start3A_269 = arith.constant 0 : i32
        %dma_start3A_270 = tpu.memref_slice %arg2[%add3A_253, %dma_start3A_268, %dma_start3A_269] : memref<2528x1x128xi32, #tpu.memory_space<hbm>> -> memref<1x1x128xi32, #tpu.memory_space<hbm>>
        %dma_start3A_271 = tpu.memref_squeeze %dma_start3A_270 : memref<1x1x128xi32, #tpu.memory_space<hbm>> -> memref<1x128xi32, #tpu.memory_space<hbm>>
        tpu.enqueue_dma source(%dma_start3A_271 : memref<1x128xi32, #tpu.memory_space<hbm>>) target(%dma_start3A_267 : memref<1x128xi32, #tpu.memory_space<vmem>>) target_semaphore(%dma_start3A_263 : memref<!tpu.dma_semaphore, #tpu.memory_space<semaphore_mem>>)
        %add3A_272 = arith.addi %mul3A_4, %add3A_250 : i32
        %dma_start3A_273 = arith.constant 0 : i32
        %dma_start3A_274 = arith.constant 0 : i32
        %dma_start3A_275 = tpu.memref_slice %arg11[%rem3A_252, %dma_start3A_273, %dma_start3A_274] : memref<4x1x128xi32, #tpu.memory_space<vmem>> -> memref<1x1x128xi32, #tpu.memory_space<vmem>>
        %dma_start3A_276 = tpu.memref_squeeze %dma_start3A_275 : memref<1x1x128xi32, #tpu.memory_space<vmem>> -> memref<1x128xi32, #tpu.memory_space<vmem>>
        %dma_start3A_277 = arith.constant 0 : i32
        %dma_start3A_278 = arith.constant 0 : i32
        %dma_start3A_279 = tpu.memref_slice %arg3[%add3A_272, %dma_start3A_277, %dma_start3A_278] : memref<2528x1x128xi32, #tpu.memory_space<hbm>> -> memref<1x1x128xi32, #tpu.memory_space<hbm>>
        %dma_start3A_280 = tpu.memref_squeeze %dma_start3A_279 : memref<1x1x128xi32, #tpu.memory_space<hbm>> -> memref<1x128xi32, #tpu.memory_space<hbm>>
        %dma_start3A_281 = tpu.memref_slice %arg13[%rem3A_252] : memref<4x!tpu.dma_semaphore, #tpu.memory_space<semaphore_mem>> -> memref<1x!tpu.dma_semaphore, #tpu.memory_space<semaphore_mem>>
        %dma_start3A_282 = tpu.memref_squeeze %dma_start3A_281 : memref<1x!tpu.dma_semaphore, #tpu.memory_space<semaphore_mem>> -> memref<!tpu.dma_semaphore, #tpu.memory_space<semaphore_mem>>
        %dma_start3A_283 = arith.constant 0 : i32
        %dma_start3A_284 = arith.constant 0 : i32
        %dma_start3A_285 = tpu.memref_slice %arg11[%rem3A_252, %dma_start3A_283, %dma_start3A_284] : memref<4x1x128xi32, #tpu.memory_space<vmem>> -> memref<1x1x128xi32, #tpu.memory_space<vmem>>
        %dma_start3A_286 = tpu.memref_squeeze %dma_start3A_285 : memref<1x1x128xi32, #tpu.memory_space<vmem>> -> memref<1x128xi32, #tpu.memory_space<vmem>>
        %dma_start3A_287 = arith.constant 0 : i32
        %dma_start3A_288 = arith.constant 0 : i32
        %dma_start3A_289 = tpu.memref_slice %arg3[%add3A_272, %dma_start3A_287, %dma_start3A_288] : memref<2528x1x128xi32, #tpu.memory_space<hbm>> -> memref<1x1x128xi32, #tpu.memory_space<hbm>>
        %dma_start3A_290 = tpu.memref_squeeze %dma_start3A_289 : memref<1x1x128xi32, #tpu.memory_space<hbm>> -> memref<1x128xi32, #tpu.memory_space<hbm>>
        tpu.enqueue_dma source(%dma_start3A_290 : memref<1x128xi32, #tpu.memory_space<hbm>>) target(%dma_start3A_286 : memref<1x128xi32, #tpu.memory_space<vmem>>) target_semaphore(%dma_start3A_282 : memref<!tpu.dma_semaphore, #tpu.memory_space<semaphore_mem>>)
      } else {
      }
      %rem3A_196 = arith.constant 4 : i32
      %rem3A_197 = arith.remsi %scan3A_182, %rem3A_196 : i32
      %dma_wait3A_198 = arith.constant 0 : i32
      %dma_wait3A_199 = arith.constant 0 : i32
      %dma_wait3A_200 = tpu.memref_slice %arg10[%rem3A_197, %dma_wait3A_198, %dma_wait3A_199] : memref<4x1x128xi32, #tpu.memory_space<vmem>> -> memref<1x1x128xi32, #tpu.memory_space<vmem>>
      %dma_wait3A_201 = tpu.memref_squeeze %dma_wait3A_200 : memref<1x1x128xi32, #tpu.memory_space<vmem>> -> memref<1x128xi32, #tpu.memory_space<vmem>>
      %dma_wait3A_202 = arith.constant 0 : i32
      %dma_wait3A_203 = arith.constant 0 : i32
      %dma_wait3A_204 = tpu.memref_slice %arg2[%mul3A_4, %dma_wait3A_202, %dma_wait3A_203] : memref<2528x1x128xi32, #tpu.memory_space<hbm>> -> memref<1x1x128xi32, #tpu.memory_space<hbm>>
      %dma_wait3A_205 = tpu.memref_squeeze %dma_wait3A_204 : memref<1x1x128xi32, #tpu.memory_space<hbm>> -> memref<1x128xi32, #tpu.memory_space<hbm>>
      %dma_wait3A_206 = tpu.memref_slice %arg13[%rem3A_197] : memref<4x!tpu.dma_semaphore, #tpu.memory_space<semaphore_mem>> -> memref<1x!tpu.dma_semaphore, #tpu.memory_space<semaphore_mem>>
      %dma_wait3A_207 = tpu.memref_squeeze %dma_wait3A_206 : memref<1x!tpu.dma_semaphore, #tpu.memory_space<semaphore_mem>> -> memref<!tpu.dma_semaphore, #tpu.memory_space<semaphore_mem>>
      %dma_wait3A_208 = arith.constant 0 : i32
      %dma_wait3A_209 = arith.constant 0 : i32
      %dma_wait3A_210 = tpu.memref_slice %arg10[%rem3A_197, %dma_wait3A_208, %dma_wait3A_209] : memref<4x1x128xi32, #tpu.memory_space<vmem>> -> memref<1x1x128xi32, #tpu.memory_space<vmem>>
      %dma_wait3A_211 = tpu.memref_squeeze %dma_wait3A_210 : memref<1x1x128xi32, #tpu.memory_space<vmem>> -> memref<1x128xi32, #tpu.memory_space<vmem>>
      %dma_wait3A_212 = arith.constant 0 : i32
      %dma_wait3A_213 = arith.constant 0 : i32
      %dma_wait3A_214 = tpu.memref_slice %arg2[%mul3A_4, %dma_wait3A_212, %dma_wait3A_213] : memref<2528x1x128xi32, #tpu.memory_space<hbm>> -> memref<1x1x128xi32, #tpu.memory_space<hbm>>
      %dma_wait3A_215 = tpu.memref_squeeze %dma_wait3A_214 : memref<1x1x128xi32, #tpu.memory_space<hbm>> -> memref<1x128xi32, #tpu.memory_space<hbm>>
      tpu.wait_dma2 semaphore(%dma_wait3A_207 : memref<!tpu.dma_semaphore, #tpu.memory_space<semaphore_mem>>) src(%dma_wait3A_215 : memref<1x128xi32, #tpu.memory_space<hbm>>) dst(%dma_wait3A_211 : memref<1x128xi32, #tpu.memory_space<vmem>>)
      %dma_wait3A_216 = arith.constant 0 : i32
      %dma_wait3A_217 = arith.constant 0 : i32
      %dma_wait3A_218 = tpu.memref_slice %arg11[%rem3A_197, %dma_wait3A_216, %dma_wait3A_217] : memref<4x1x128xi32, #tpu.memory_space<vmem>> -> memref<1x1x128xi32, #tpu.memory_space<vmem>>
      %dma_wait3A_219 = tpu.memref_squeeze %dma_wait3A_218 : memref<1x1x128xi32, #tpu.memory_space<vmem>> -> memref<1x128xi32, #tpu.memory_space<vmem>>
      %dma_wait3A_220 = arith.constant 0 : i32
      %dma_wait3A_221 = arith.constant 0 : i32
      %dma_wait3A_222 = tpu.memref_slice %arg3[%mul3A_4, %dma_wait3A_220, %dma_wait3A_221] : memref<2528x1x128xi32, #tpu.memory_space<hbm>> -> memref<1x1x128xi32, #tpu.memory_space<hbm>>
      %dma_wait3A_223 = tpu.memref_squeeze %dma_wait3A_222 : memref<1x1x128xi32, #tpu.memory_space<hbm>> -> memref<1x128xi32, #tpu.memory_space<hbm>>
      %dma_wait3A_224 = tpu.memref_slice %arg13[%rem3A_197] : memref<4x!tpu.dma_semaphore, #tpu.memory_space<semaphore_mem>> -> memref<1x!tpu.dma_semaphore, #tpu.memory_space<semaphore_mem>>
      %dma_wait3A_225 = tpu.memref_squeeze %dma_wait3A_224 : memref<1x!tpu.dma_semaphore, #tpu.memory_space<semaphore_mem>> -> memref<!tpu.dma_semaphore, #tpu.memory_space<semaphore_mem>>
      %dma_wait3A_226 = arith.constant 0 : i32
      %dma_wait3A_227 = arith.constant 0 : i32
      %dma_wait3A_228 = tpu.memref_slice %arg11[%rem3A_197, %dma_wait3A_226, %dma_wait3A_227] : memref<4x1x128xi32, #tpu.memory_space<vmem>> -> memref<1x1x128xi32, #tpu.memory_space<vmem>>
      %dma_wait3A_229 = tpu.memref_squeeze %dma_wait3A_228 : memref<1x1x128xi32, #tpu.memory_space<vmem>> -> memref<1x128xi32, #tpu.memory_space<vmem>>
      %dma_wait3A_230 = arith.constant 0 : i32
      %dma_wait3A_231 = arith.constant 0 : i32
      %dma_wait3A_232 = tpu.memref_slice %arg3[%mul3A_4, %dma_wait3A_230, %dma_wait3A_231] : memref<2528x1x128xi32, #tpu.memory_space<hbm>> -> memref<1x1x128xi32, #tpu.memory_space<hbm>>
      %dma_wait3A_233 = tpu.memref_squeeze %dma_wait3A_232 : memref<1x1x128xi32, #tpu.memory_space<hbm>> -> memref<1x128xi32, #tpu.memory_space<hbm>>
      tpu.wait_dma2 semaphore(%dma_wait3A_225 : memref<!tpu.dma_semaphore, #tpu.memory_space<semaphore_mem>>) src(%dma_wait3A_233 : memref<1x128xi32, #tpu.memory_space<hbm>>) dst(%dma_wait3A_229 : memref<1x128xi32, #tpu.memory_space<vmem>>)
      %eq3A_234 = arith.constant 0 : i32
      %eq3A_235 = arith.cmpi eq, %arg0, %eq3A_234 : i32
      %convert_element_type3A_236 = arith.extui %eq3A_235 : i1 to i32
      %cond3A_237 = arith.constant 0 : i32
      %cond3A_238 = arith.cmpi ne, %convert_element_type3A_236, %cond3A_237 : i32
      scf.if %cond3A_238 {
        %rem3A_249 = arith.constant 4 : i32
        %rem3A_250 = arith.remsi %scan3A_182, %rem3A_249 : i32
        %dma_start3A_251 = arith.constant 0 : i32
        %dma_start3A_252 = arith.constant 0 : i32
        %dma_start3A_253 = arith.constant 0 : i32
        %dma_start3A_254 = tpu.memref_slice %arg12[%rem3A_184, %dma_start3A_252, %dma_start3A_253] : memref<2x128x128xf32, #tpu.memory_space<vmem>> -> memref<1x64x128xf32, #tpu.memory_space<vmem>>
        %dma_start3A_255 = tpu.memref_squeeze %dma_start3A_254 : memref<1x64x128xf32, #tpu.memory_space<vmem>> -> memref<64x128xf32, #tpu.memory_space<vmem>>
        %dma_start3A_256 = arith.constant 0 : i32
        %dma_start3A_257 = tpu.memref_slice %arg10[%rem3A_250, %dma_start3A_251, %dma_start3A_256] : memref<4x1x128xi32, #tpu.memory_space<vmem>> -> memref<1x1x64xi32, #tpu.memory_space<vmem>>
        %dma_start3A_258 = tpu.memref_squeeze %dma_start3A_257 : memref<1x1x64xi32, #tpu.memory_space<vmem>> -> memref<64xi32, #tpu.memory_space<vmem>>
        %dma_start3A_259 = arith.constant 0 : i32
        %dma_start3A_260 = arith.constant 0 : i32
        %dma_start3A_261 = tpu.memref_slice %arg4[%dma_start3A_259, %dma_start3A_260] : memref<10000x128xf32, #tpu.memory_space<hbm>> -> memref<10000x128xf32, #tpu.memory_space<hbm>>
        %dma_start3A_262 = tpu.memref_slice %arg14[%rem3A_184] : memref<2x!tpu.dma_semaphore, #tpu.memory_space<semaphore_mem>> -> memref<1x!tpu.dma_semaphore, #tpu.memory_space<semaphore_mem>>
        %dma_start3A_263 = tpu.memref_squeeze %dma_start3A_262 : memref<1x!tpu.dma_semaphore, #tpu.memory_space<semaphore_mem>> -> memref<!tpu.dma_semaphore, #tpu.memory_space<semaphore_mem>>
        tpu.enqueue_indirect_dma source(%dma_start3A_261 : memref<10000x128xf32, #tpu.memory_space<hbm>>) target(%dma_start3A_255 : memref<64x128xf32, #tpu.memory_space<vmem>>) offsets(%dma_start3A_258 : memref<64xi32, #tpu.memory_space<vmem>>) semaphore(%dma_start3A_263 : memref<!tpu.dma_semaphore, #tpu.memory_space<semaphore_mem>>)
        %dma_start3A_264 = arith.constant 0 : i32
        %dma_start3A_265 = arith.constant 64 : i32
        %dma_start3A_266 = arith.constant 0 : i32
        %dma_start3A_267 = tpu.memref_slice %arg12[%rem3A_184, %dma_start3A_265, %dma_start3A_266] : memref<2x128x128xf32, #tpu.memory_space<vmem>> -> memref<1x64x128xf32, #tpu.memory_space<vmem>>
        %dma_start3A_268 = tpu.memref_squeeze %dma_start3A_267 : memref<1x64x128xf32, #tpu.memory_space<vmem>> -> memref<64x128xf32, #tpu.memory_space<vmem>>
        %dma_start3A_269 = arith.constant 64 : i32
        %dma_start3A_270 = tpu.memref_slice %arg10[%rem3A_250, %dma_start3A_264, %dma_start3A_269] : memref<4x1x128xi32, #tpu.memory_space<vmem>> -> memref<1x1x64xi32, #tpu.memory_space<vmem>>
        %dma_start3A_271 = tpu.memref_squeeze %dma_start3A_270 : memref<1x1x64xi32, #tpu.memory_space<vmem>> -> memref<64xi32, #tpu.memory_space<vmem>>
        %dma_start3A_272 = arith.constant 0 : i32
        %dma_start3A_273 = arith.constant 0 : i32
        %dma_start3A_274 = tpu.memref_slice %arg4[%dma_start3A_272, %dma_start3A_273] : memref<10000x128xf32, #tpu.memory_space<hbm>> -> memref<10000x128xf32, #tpu.memory_space<hbm>>
        %dma_start3A_275 = tpu.memref_slice %arg14[%rem3A_184] : memref<2x!tpu.dma_semaphore, #tpu.memory_space<semaphore_mem>> -> memref<1x!tpu.dma_semaphore, #tpu.memory_space<semaphore_mem>>
        %dma_start3A_276 = tpu.memref_squeeze %dma_start3A_275 : memref<1x!tpu.dma_semaphore, #tpu.memory_space<semaphore_mem>> -> memref<!tpu.dma_semaphore, #tpu.memory_space<semaphore_mem>>
        tpu.enqueue_indirect_dma source(%dma_start3A_274 : memref<10000x128xf32, #tpu.memory_space<hbm>>) target(%dma_start3A_268 : memref<64x128xf32, #tpu.memory_space<vmem>>) offsets(%dma_start3A_271 : memref<64xi32, #tpu.memory_space<vmem>>) semaphore(%dma_start3A_276 : memref<!tpu.dma_semaphore, #tpu.memory_space<semaphore_mem>>)
      } else {
      }
      %eq3A_239 = arith.constant 1 : i32
      %eq3A_240 = arith.cmpi eq, %arg0, %eq3A_239 : i32
      %convert_element_type3A_241 = arith.extui %eq3A_240 : i1 to i32
      %cond3A_242 = arith.constant 0 : i32
      %cond3A_243 = arith.cmpi ne, %convert_element_type3A_241, %cond3A_242 : i32
      scf.if %cond3A_243 {
        %rem3A_249 = arith.constant 4 : i32
        %rem3A_250 = arith.remsi %scan3A_182, %rem3A_249 : i32
        %dma_start3A_251 = arith.constant 0 : i32
        %dma_start3A_252 = arith.constant 0 : i32
        %dma_start3A_253 = arith.constant 0 : i32
        %dma_start3A_254 = tpu.memref_slice %arg12[%rem3A_184, %dma_start3A_252, %dma_start3A_253] : memref<2x128x128xf32, #tpu.memory_space<vmem>> -> memref<1x64x128xf32, #tpu.memory_space<vmem>>
        %dma_start3A_255 = tpu.memref_squeeze %dma_start3A_254 : memref<1x64x128xf32, #tpu.memory_space<vmem>> -> memref<64x128xf32, #tpu.memory_space<vmem>>
        %dma_start3A_256 = arith.constant 0 : i32
        %dma_start3A_257 = tpu.memref_slice %arg10[%rem3A_250, %dma_start3A_251, %dma_start3A_256] : memref<4x1x128xi32, #tpu.memory_space<vmem>> -> memref<1x1x64xi32, #tpu.memory_space<vmem>>
        %dma_start3A_258 = tpu.memref_squeeze %dma_start3A_257 : memref<1x1x64xi32, #tpu.memory_space<vmem>> -> memref<64xi32, #tpu.memory_space<vmem>>
        %dma_start3A_259 = arith.constant 0 : i32
        %dma_start3A_260 = arith.constant 0 : i32
        %dma_start3A_261 = tpu.memref_slice %arg5[%dma_start3A_259, %dma_start3A_260] : memref<10000x128xf32, #tpu.memory_space<hbm>> -> memref<10000x128xf32, #tpu.memory_space<hbm>>
        %dma_start3A_262 = tpu.memref_slice %arg14[%rem3A_184] : memref<2x!tpu.dma_semaphore, #tpu.memory_space<semaphore_mem>> -> memref<1x!tpu.dma_semaphore, #tpu.memory_space<semaphore_mem>>
        %dma_start3A_263 = tpu.memref_squeeze %dma_start3A_262 : memref<1x!tpu.dma_semaphore, #tpu.memory_space<semaphore_mem>> -> memref<!tpu.dma_semaphore, #tpu.memory_space<semaphore_mem>>
        tpu.enqueue_indirect_dma source(%dma_start3A_261 : memref<10000x128xf32, #tpu.memory_space<hbm>>) target(%dma_start3A_255 : memref<64x128xf32, #tpu.memory_space<vmem>>) offsets(%dma_start3A_258 : memref<64xi32, #tpu.memory_space<vmem>>) semaphore(%dma_start3A_263 : memref<!tpu.dma_semaphore, #tpu.memory_space<semaphore_mem>>)
        %dma_start3A_264 = arith.constant 0 : i32
        %dma_start3A_265 = arith.constant 64 : i32
        %dma_start3A_266 = arith.constant 0 : i32
        %dma_start3A_267 = tpu.memref_slice %arg12[%rem3A_184, %dma_start3A_265, %dma_start3A_266] : memref<2x128x128xf32, #tpu.memory_space<vmem>> -> memref<1x64x128xf32, #tpu.memory_space<vmem>>
        %dma_start3A_268 = tpu.memref_squeeze %dma_start3A_267 : memref<1x64x128xf32, #tpu.memory_space<vmem>> -> memref<64x128xf32, #tpu.memory_space<vmem>>
        %dma_start3A_269 = arith.constant 64 : i32
        %dma_start3A_270 = tpu.memref_slice %arg10[%rem3A_250, %dma_start3A_264, %dma_start3A_269] : memref<4x1x128xi32, #tpu.memory_space<vmem>> -> memref<1x1x64xi32, #tpu.memory_space<vmem>>
        %dma_start3A_271 = tpu.memref_squeeze %dma_start3A_270 : memref<1x1x64xi32, #tpu.memory_space<vmem>> -> memref<64xi32, #tpu.memory_space<vmem>>
        %dma_start3A_272 = arith.constant 0 : i32
        %dma_start3A_273 = arith.constant 0 : i32
        %dma_start3A_274 = tpu.memref_slice %arg5[%dma_start3A_272, %dma_start3A_273] : memref<10000x128xf32, #tpu.memory_space<hbm>> -> memref<10000x128xf32, #tpu.memory_space<hbm>>
        %dma_start3A_275 = tpu.memref_slice %arg14[%rem3A_184] : memref<2x!tpu.dma_semaphore, #tpu.memory_space<semaphore_mem>> -> memref<1x!tpu.dma_semaphore, #tpu.memory_space<semaphore_mem>>
        %dma_start3A_276 = tpu.memref_squeeze %dma_start3A_275 : memref<1x!tpu.dma_semaphore, #tpu.memory_space<semaphore_mem>> -> memref<!tpu.dma_semaphore, #tpu.memory_space<semaphore_mem>>
        tpu.enqueue_indirect_dma source(%dma_start3A_274 : memref<10000x128xf32, #tpu.memory_space<hbm>>) target(%dma_start3A_268 : memref<64x128xf32, #tpu.memory_space<vmem>>) offsets(%dma_start3A_271 : memref<64xi32, #tpu.memory_space<vmem>>) semaphore(%dma_start3A_276 : memref<!tpu.dma_semaphore, #tpu.memory_space<semaphore_mem>>)
      } else {
      }
      %ge3A_244 = arith.constant 1 : i32
      %ge3A_245 = arith.cmpi sge, %scan3A_182, %ge3A_244 : i32
      %convert_element_type3A_246 = arith.extui %ge3A_245 : i1 to i32
      %cond3A_247 = arith.constant 0 : i32
      %cond3A_248 = arith.cmpi ne, %convert_element_type3A_246, %cond3A_247 : i32
      scf.if %cond3A_248 {
        %dma_wait3A_249 = arith.constant 0 : i32
        %dma_wait3A_250 = arith.constant 0 : i32
        %dma_wait3A_251 = arith.constant 0 : i32
        %dma_wait3A_252 = arith.constant 0 : i32
        %dma_wait3A_253 = tpu.memref_slice %arg12[%sub3A_185, %dma_wait3A_251, %dma_wait3A_252] : memref<2x128x128xf32, #tpu.memory_space<vmem>> -> memref<1x64x128xf32, #tpu.memory_space<vmem>>
        %dma_wait3A_254 = tpu.memref_squeeze %dma_wait3A_253 : memref<1x64x128xf32, #tpu.memory_space<vmem>> -> memref<64x128xf32, #tpu.memory_space<vmem>>
        %dma_wait3A_255 = arith.constant 0 : i32
        %dma_wait3A_256 = tpu.memref_slice %arg10[%dma_wait3A_249, %dma_wait3A_250, %dma_wait3A_255] : memref<4x1x128xi32, #tpu.memory_space<vmem>> -> memref<1x1x64xi32, #tpu.memory_space<vmem>>
        %dma_wait3A_257 = tpu.memref_squeeze %dma_wait3A_256 : memref<1x1x64xi32, #tpu.memory_space<vmem>> -> memref<64xi32, #tpu.memory_space<vmem>>
        %dma_wait3A_258 = arith.constant 0 : i32
        %dma_wait3A_259 = arith.constant 0 : i32
        %dma_wait3A_260 = tpu.memref_slice %arg4[%dma_wait3A_258, %dma_wait3A_259] : memref<10000x128xf32, #tpu.memory_space<hbm>> -> memref<10000x128xf32, #tpu.memory_space<hbm>>
        %dma_wait3A_261 = tpu.memref_slice %arg14[%sub3A_185] : memref<2x!tpu.dma_semaphore, #tpu.memory_space<semaphore_mem>> -> memref<1x!tpu.dma_semaphore, #tpu.memory_space<semaphore_mem>>
        %dma_wait3A_262 = tpu.memref_squeeze %dma_wait3A_261 : memref<1x!tpu.dma_semaphore, #tpu.memory_space<semaphore_mem>> -> memref<!tpu.dma_semaphore, #tpu.memory_space<semaphore_mem>>
        tpu.wait_indirect_dma semaphore(%dma_wait3A_262 : memref<!tpu.dma_semaphore, #tpu.memory_space<semaphore_mem>>) src(%dma_wait3A_260 : memref<10000x128xf32, #tpu.memory_space<hbm>>) dst(%dma_wait3A_254 : memref<64x128xf32, #tpu.memory_space<vmem>>)
        %dma_wait3A_263 = arith.constant 0 : i32
        %dma_wait3A_264 = arith.constant 0 : i32
        %dma_wait3A_265 = arith.constant 64 : i32
        %dma_wait3A_266 = arith.constant 0 : i32
        %dma_wait3A_267 = tpu.memref_slice %arg12[%sub3A_185, %dma_wait3A_265, %dma_wait3A_266] : memref<2x128x128xf32, #tpu.memory_space<vmem>> -> memref<1x64x128xf32, #tpu.memory_space<vmem>>
        %dma_wait3A_268 = tpu.memref_squeeze %dma_wait3A_267 : memref<1x64x128xf32, #tpu.memory_space<vmem>> -> memref<64x128xf32, #tpu.memory_space<vmem>>
        %dma_wait3A_269 = arith.constant 64 : i32
        %dma_wait3A_270 = tpu.memref_slice %arg10[%dma_wait3A_263, %dma_wait3A_264, %dma_wait3A_269] : memref<4x1x128xi32, #tpu.memory_space<vmem>> -> memref<1x1x64xi32, #tpu.memory_space<vmem>>
        %dma_wait3A_271 = tpu.memref_squeeze %dma_wait3A_270 : memref<1x1x64xi32, #tpu.memory_space<vmem>> -> memref<64xi32, #tpu.memory_space<vmem>>
        %dma_wait3A_272 = arith.constant 0 : i32
        %dma_wait3A_273 = arith.constant 0 : i32
        %dma_wait3A_274 = tpu.memref_slice %arg4[%dma_wait3A_272, %dma_wait3A_273] : memref<10000x128xf32, #tpu.memory_space<hbm>> -> memref<10000x128xf32, #tpu.memory_space<hbm>>
        %dma_wait3A_275 = tpu.memref_slice %arg14[%sub3A_185] : memref<2x!tpu.dma_semaphore, #tpu.memory_space<semaphore_mem>> -> memref<1x!tpu.dma_semaphore, #tpu.memory_space<semaphore_mem>>
        %dma_wait3A_276 = tpu.memref_squeeze %dma_wait3A_275 : memref<1x!tpu.dma_semaphore, #tpu.memory_space<semaphore_mem>> -> memref<!tpu.dma_semaphore, #tpu.memory_space<semaphore_mem>>
        tpu.wait_indirect_dma semaphore(%dma_wait3A_276 : memref<!tpu.dma_semaphore, #tpu.memory_space<semaphore_mem>>) src(%dma_wait3A_274 : memref<10000x128xf32, #tpu.memory_space<hbm>>) dst(%dma_wait3A_268 : memref<64x128xf32, #tpu.memory_space<vmem>>)
        %sub3A_277 = arith.constant 1 : i32
        %sub3A_278 = arith.subi %scan3A_182, %sub3A_277 : i32
        %rem3A_279 = arith.constant 4 : i32
        %rem3A_280 = arith.remsi %sub3A_278, %rem3A_279 : i32
        %dma_start3A_281 = arith.constant 0 : i32
        %dma_start3A_282 = arith.constant 0 : i32
        %dma_start3A_283 = arith.constant 0 : i32
        %dma_start3A_284 = tpu.memref_slice %arg12[%sub3A_185, %dma_start3A_282, %dma_start3A_283] : memref<2x128x128xf32, #tpu.memory_space<vmem>> -> memref<1x128x128xf32, #tpu.memory_space<vmem>>
        %dma_start3A_285 = tpu.memref_squeeze %dma_start3A_284 : memref<1x128x128xf32, #tpu.memory_space<vmem>> -> memref<128x128xf32, #tpu.memory_space<vmem>>
        %dma_start3A_286 = arith.constant 0 : i32
        %dma_start3A_287 = tpu.memref_slice %arg11[%rem3A_280, %dma_start3A_281, %dma_start3A_286] : memref<4x1x128xi32, #tpu.memory_space<vmem>> -> memref<1x1x128xi32, #tpu.memory_space<vmem>>
        %dma_start3A_288 = tpu.memref_squeeze %dma_start3A_287 : memref<1x1x128xi32, #tpu.memory_space<vmem>> -> memref<128xi32, #tpu.memory_space<vmem>>
        %dma_start3A_289 = arith.constant 0 : i32
        %dma_start3A_290 = arith.constant 0 : i32
        %dma_start3A_291 = tpu.memref_slice %arg9[%dma_start3A_289, %dma_start3A_290] : memref<10240x128xf32, #tpu.memory_space<vmem_shared>> -> memref<10240x128xf32, #tpu.memory_space<vmem_shared>>
        %dma_start3A_292 = tpu.memref_slice %arg15[%sub3A_185] : memref<2x!tpu.dma_semaphore, #tpu.memory_space<semaphore_mem>> -> memref<1x!tpu.dma_semaphore, #tpu.memory_space<semaphore_mem>>
        %dma_start3A_293 = tpu.memref_squeeze %dma_start3A_292 : memref<1x!tpu.dma_semaphore, #tpu.memory_space<semaphore_mem>> -> memref<!tpu.dma_semaphore, #tpu.memory_space<semaphore_mem>>
        tpu.enqueue_indirect_dma source(%dma_start3A_285 : memref<128x128xf32, #tpu.memory_space<vmem>>) target(%dma_start3A_291 : memref<10240x128xf32, #tpu.memory_space<vmem_shared>>) offsets(%dma_start3A_288 : memref<128xi32, #tpu.memory_space<vmem>>) semaphore(%dma_start3A_293 : memref<!tpu.dma_semaphore, #tpu.memory_space<semaphore_mem>>) {add = true}
      } else {
      }
    }
    %scan3A_92 = arith.constant 158 : i32
    %dma_wait3A = arith.constant 0 : i32
    %dma_wait3A_93 = arith.constant 0 : i32
    %dma_wait3A_94 = arith.constant 1 : i32
    %dma_wait3A_95 = arith.constant 1 : i32
    %dma_wait3A_96 = arith.constant 0 : i32
    %dma_wait3A_97 = arith.constant 0 : i32
    %dma_wait3A_98 = tpu.memref_slice %arg12[%dma_wait3A_94, %dma_wait3A_96, %dma_wait3A_97] : memref<2x128x128xf32, #tpu.memory_space<vmem>> -> memref<1x64x128xf32, #tpu.memory_space<vmem>>
    %dma_wait3A_99 = tpu.memref_squeeze %dma_wait3A_98 : memref<1x64x128xf32, #tpu.memory_space<vmem>> -> memref<64x128xf32, #tpu.memory_space<vmem>>
    %dma_wait3A_100 = arith.constant 0 : i32
    %dma_wait3A_101 = tpu.memref_slice %arg10[%dma_wait3A, %dma_wait3A_93, %dma_wait3A_100] : memref<4x1x128xi32, #tpu.memory_space<vmem>> -> memref<1x1x64xi32, #tpu.memory_space<vmem>>
    %dma_wait3A_102 = tpu.memref_squeeze %dma_wait3A_101 : memref<1x1x64xi32, #tpu.memory_space<vmem>> -> memref<64xi32, #tpu.memory_space<vmem>>
    %dma_wait3A_103 = arith.constant 0 : i32
    %dma_wait3A_104 = arith.constant 0 : i32
    %dma_wait3A_105 = tpu.memref_slice %arg4[%dma_wait3A_103, %dma_wait3A_104] : memref<10000x128xf32, #tpu.memory_space<hbm>> -> memref<10000x128xf32, #tpu.memory_space<hbm>>
    %dma_wait3A_106 = tpu.memref_slice %arg14[%dma_wait3A_95] : memref<2x!tpu.dma_semaphore, #tpu.memory_space<semaphore_mem>> -> memref<1x!tpu.dma_semaphore, #tpu.memory_space<semaphore_mem>>
    %dma_wait3A_107 = tpu.memref_squeeze %dma_wait3A_106 : memref<1x!tpu.dma_semaphore, #tpu.memory_space<semaphore_mem>> -> memref<!tpu.dma_semaphore, #tpu.memory_space<semaphore_mem>>
    tpu.wait_indirect_dma semaphore(%dma_wait3A_107 : memref<!tpu.dma_semaphore, #tpu.memory_space<semaphore_mem>>) src(%dma_wait3A_105 : memref<10000x128xf32, #tpu.memory_space<hbm>>) dst(%dma_wait3A_99 : memref<64x128xf32, #tpu.memory_space<vmem>>)
    %dma_wait3A_108 = arith.constant 0 : i32
    %dma_wait3A_109 = arith.constant 0 : i32
    %dma_wait3A_110 = arith.constant 1 : i32
    %dma_wait3A_111 = arith.constant 1 : i32
    %dma_wait3A_112 = arith.constant 64 : i32
    %dma_wait3A_113 = arith.constant 0 : i32
    %dma_wait3A_114 = tpu.memref_slice %arg12[%dma_wait3A_110, %dma_wait3A_112, %dma_wait3A_113] : memref<2x128x128xf32, #tpu.memory_space<vmem>> -> memref<1x64x128xf32, #tpu.memory_space<vmem>>
    %dma_wait3A_115 = tpu.memref_squeeze %dma_wait3A_114 : memref<1x64x128xf32, #tpu.memory_space<vmem>> -> memref<64x128xf32, #tpu.memory_space<vmem>>
    %dma_wait3A_116 = arith.constant 64 : i32
    %dma_wait3A_117 = tpu.memref_slice %arg10[%dma_wait3A_108, %dma_wait3A_109, %dma_wait3A_116] : memref<4x1x128xi32, #tpu.memory_space<vmem>> -> memref<1x1x64xi32, #tpu.memory_space<vmem>>
    %dma_wait3A_118 = tpu.memref_squeeze %dma_wait3A_117 : memref<1x1x64xi32, #tpu.memory_space<vmem>> -> memref<64xi32, #tpu.memory_space<vmem>>
    %dma_wait3A_119 = arith.constant 0 : i32
    %dma_wait3A_120 = arith.constant 0 : i32
    %dma_wait3A_121 = tpu.memref_slice %arg4[%dma_wait3A_119, %dma_wait3A_120] : memref<10000x128xf32, #tpu.memory_space<hbm>> -> memref<10000x128xf32, #tpu.memory_space<hbm>>
    %dma_wait3A_122 = tpu.memref_slice %arg14[%dma_wait3A_111] : memref<2x!tpu.dma_semaphore, #tpu.memory_space<semaphore_mem>> -> memref<1x!tpu.dma_semaphore, #tpu.memory_space<semaphore_mem>>
    %dma_wait3A_123 = tpu.memref_squeeze %dma_wait3A_122 : memref<1x!tpu.dma_semaphore, #tpu.memory_space<semaphore_mem>> -> memref<!tpu.dma_semaphore, #tpu.memory_space<semaphore_mem>>
    tpu.wait_indirect_dma semaphore(%dma_wait3A_123 : memref<!tpu.dma_semaphore, #tpu.memory_space<semaphore_mem>>) src(%dma_wait3A_121 : memref<10000x128xf32, #tpu.memory_space<hbm>>) dst(%dma_wait3A_115 : memref<64x128xf32, #tpu.memory_space<vmem>>)
    %rem3A_124 = arith.constant 157 : i32
    %rem3A_125 = arith.constant 4 : i32
    %rem3A_126 = arith.remsi %rem3A_124, %rem3A_125 : i32
    %dma_start3A_127 = arith.constant 1 : i32
    %dma_start3A_128 = arith.constant 0 : i32
    %dma_start3A_129 = arith.constant 1 : i32
    %dma_start3A_130 = arith.constant 0 : i32
    %dma_start3A_131 = arith.constant 0 : i32
    %dma_start3A_132 = tpu.memref_slice %arg12[%dma_start3A_127, %dma_start3A_130, %dma_start3A_131] : memref<2x128x128xf32, #tpu.memory_space<vmem>> -> memref<1x128x128xf32, #tpu.memory_space<vmem>>
    %dma_start3A_133 = tpu.memref_squeeze %dma_start3A_132 : memref<1x128x128xf32, #tpu.memory_space<vmem>> -> memref<128x128xf32, #tpu.memory_space<vmem>>
    %dma_start3A_134 = arith.constant 0 : i32
    %dma_start3A_135 = tpu.memref_slice %arg11[%rem3A_126, %dma_start3A_128, %dma_start3A_134] : memref<4x1x128xi32, #tpu.memory_space<vmem>> -> memref<1x1x128xi32, #tpu.memory_space<vmem>>
    %dma_start3A_136 = tpu.memref_squeeze %dma_start3A_135 : memref<1x1x128xi32, #tpu.memory_space<vmem>> -> memref<128xi32, #tpu.memory_space<vmem>>
    %dma_start3A_137 = arith.constant 0 : i32
    %dma_start3A_138 = arith.constant 0 : i32
    %dma_start3A_139 = tpu.memref_slice %arg9[%dma_start3A_137, %dma_start3A_138] : memref<10240x128xf32, #tpu.memory_space<vmem_shared>> -> memref<10240x128xf32, #tpu.memory_space<vmem_shared>>
    %dma_start3A_140 = tpu.memref_slice %arg15[%dma_start3A_129] : memref<2x!tpu.dma_semaphore, #tpu.memory_space<semaphore_mem>> -> memref<1x!tpu.dma_semaphore, #tpu.memory_space<semaphore_mem>>
    %dma_start3A_141 = tpu.memref_squeeze %dma_start3A_140 : memref<1x!tpu.dma_semaphore, #tpu.memory_space<semaphore_mem>> -> memref<!tpu.dma_semaphore, #tpu.memory_space<semaphore_mem>>
    tpu.enqueue_indirect_dma source(%dma_start3A_133 : memref<128x128xf32, #tpu.memory_space<vmem>>) target(%dma_start3A_139 : memref<10240x128xf32, #tpu.memory_space<vmem_shared>>) offsets(%dma_start3A_136 : memref<128xi32, #tpu.memory_space<vmem>>) semaphore(%dma_start3A_141 : memref<!tpu.dma_semaphore, #tpu.memory_space<semaphore_mem>>) {add = true}
    %dma_wait3A_142 = arith.constant 0 : i32
    %dma_wait3A_143 = arith.constant 0 : i32
    %dma_wait3A_144 = arith.constant 0 : i32
    %dma_wait3A_145 = arith.constant 0 : i32
    %dma_wait3A_146 = arith.constant 0 : i32
    %dma_wait3A_147 = arith.constant 0 : i32
    %dma_wait3A_148 = tpu.memref_slice %arg12[%dma_wait3A_142, %dma_wait3A_146, %dma_wait3A_147] : memref<2x128x128xf32, #tpu.memory_space<vmem>> -> memref<1x128x128xf32, #tpu.memory_space<vmem>>
    %dma_wait3A_149 = tpu.memref_squeeze %dma_wait3A_148 : memref<1x128x128xf32, #tpu.memory_space<vmem>> -> memref<128x128xf32, #tpu.memory_space<vmem>>
    %dma_wait3A_150 = arith.constant 0 : i32
    %dma_wait3A_151 = tpu.memref_slice %arg11[%dma_wait3A_143, %dma_wait3A_144, %dma_wait3A_150] : memref<4x1x128xi32, #tpu.memory_space<vmem>> -> memref<1x1x128xi32, #tpu.memory_space<vmem>>
    %dma_wait3A_152 = tpu.memref_squeeze %dma_wait3A_151 : memref<1x1x128xi32, #tpu.memory_space<vmem>> -> memref<128xi32, #tpu.memory_space<vmem>>
    %dma_wait3A_153 = arith.constant 0 : i32
    %dma_wait3A_154 = arith.constant 0 : i32
    %dma_wait3A_155 = tpu.memref_slice %arg9[%dma_wait3A_153, %dma_wait3A_154] : memref<10240x128xf32, #tpu.memory_space<vmem_shared>> -> memref<10240x128xf32, #tpu.memory_space<vmem_shared>>
    %dma_wait3A_156 = tpu.memref_slice %arg15[%dma_wait3A_145] : memref<2x!tpu.dma_semaphore, #tpu.memory_space<semaphore_mem>> -> memref<1x!tpu.dma_semaphore, #tpu.memory_space<semaphore_mem>>
    %dma_wait3A_157 = tpu.memref_squeeze %dma_wait3A_156 : memref<1x!tpu.dma_semaphore, #tpu.memory_space<semaphore_mem>> -> memref<!tpu.dma_semaphore, #tpu.memory_space<semaphore_mem>>
    tpu.wait_indirect_dma semaphore(%dma_wait3A_157 : memref<!tpu.dma_semaphore, #tpu.memory_space<semaphore_mem>>) src(%dma_wait3A_149 : memref<128x128xf32, #tpu.memory_space<vmem>>) dst(%dma_wait3A_155 : memref<10240x128xf32, #tpu.memory_space<vmem_shared>>)
    %dma_wait3A_158 = arith.constant 1 : i32
    %dma_wait3A_159 = arith.constant 0 : i32
    %dma_wait3A_160 = arith.constant 0 : i32
    %dma_wait3A_161 = arith.constant 1 : i32
    %dma_wait3A_162 = arith.constant 0 : i32
    %dma_wait3A_163 = arith.constant 0 : i32
    %dma_wait3A_164 = tpu.memref_slice %arg12[%dma_wait3A_158, %dma_wait3A_162, %dma_wait3A_163] : memref<2x128x128xf32, #tpu.memory_space<vmem>> -> memref<1x128x128xf32, #tpu.memory_space<vmem>>
    %dma_wait3A_165 = tpu.memref_squeeze %dma_wait3A_164 : memref<1x128x128xf32, #tpu.memory_space<vmem>> -> memref<128x128xf32, #tpu.memory_space<vmem>>
    %dma_wait3A_166 = arith.constant 0 : i32
    %dma_wait3A_167 = tpu.memref_slice %arg11[%dma_wait3A_159, %dma_wait3A_160, %dma_wait3A_166] : memref<4x1x128xi32, #tpu.memory_space<vmem>> -> memref<1x1x128xi32, #tpu.memory_space<vmem>>
    %dma_wait3A_168 = tpu.memref_squeeze %dma_wait3A_167 : memref<1x1x128xi32, #tpu.memory_space<vmem>> -> memref<128xi32, #tpu.memory_space<vmem>>
    %dma_wait3A_169 = arith.constant 0 : i32
    %dma_wait3A_170 = arith.constant 0 : i32
    %dma_wait3A_171 = tpu.memref_slice %arg9[%dma_wait3A_169, %dma_wait3A_170] : memref<10240x128xf32, #tpu.memory_space<vmem_shared>> -> memref<10240x128xf32, #tpu.memory_space<vmem_shared>>
    %dma_wait3A_172 = tpu.memref_slice %arg15[%dma_wait3A_161] : memref<2x!tpu.dma_semaphore, #tpu.memory_space<semaphore_mem>> -> memref<1x!tpu.dma_semaphore, #tpu.memory_space<semaphore_mem>>
    %dma_wait3A_173 = tpu.memref_squeeze %dma_wait3A_172 : memref<1x!tpu.dma_semaphore, #tpu.memory_space<semaphore_mem>> -> memref<!tpu.dma_semaphore, #tpu.memory_space<semaphore_mem>>
    tpu.wait_indirect_dma semaphore(%dma_wait3A_173 : memref<!tpu.dma_semaphore, #tpu.memory_space<semaphore_mem>>) src(%dma_wait3A_165 : memref<128x128xf32, #tpu.memory_space<vmem>>) dst(%dma_wait3A_171 : memref<10240x128xf32, #tpu.memory_space<vmem_shared>>)
    %barrier3A_174 = arith.constant 0 : index
    tpu.barrier barrier_id(%barrier3A_174)
    %eq3A = arith.constant 0 : i32
    %eq3A_175 = arith.cmpi eq, %arg0, %eq3A : i32
    %convert_element_type3A = arith.extui %eq3A_175 : i1 to i32
    %cond3A = arith.constant 0 : i32
    %cond3A_176 = arith.cmpi ne, %convert_element_type3A, %cond3A : i32
    scf.if %cond3A_176 {
      %mul3A_182 = arith.constant 640 : i32
      %mul3A_183 = arith.muli %arg1, %mul3A_182 : i32
      %mul3A_184 = arith.constant 640 : i32
      %mul3A_185 = arith.muli %arg1, %mul3A_184 : i32
      "tpu.region"() ({
        %run_scoped3A = tpu.sem_alloc : memref<!tpu.dma_semaphore, #tpu.memory_space<semaphore_mem>>
        %dma_start3A_186 = arith.constant 0 : i32
        %dma_start3A_187 = tpu.memref_slice %arg7[%mul3A_185, %dma_start3A_186] : memref<10240x128xf32, #tpu.memory_space<hbm>> -> memref<640x128xf32, #tpu.memory_space<hbm>>
        %dma_start3A_188 = arith.constant 0 : i32
        %dma_start3A_189 = tpu.memref_slice %arg9[%mul3A_183, %dma_start3A_188] : memref<10240x128xf32, #tpu.memory_space<vmem_shared>> -> memref<640x128xf32, #tpu.memory_space<vmem_shared>>
        tpu.enqueue_dma source(%dma_start3A_189 : memref<640x128xf32, #tpu.memory_space<vmem_shared>>) target(%dma_start3A_187 : memref<640x128xf32, #tpu.memory_space<hbm>>) target_semaphore(%run_scoped3A : memref<!tpu.dma_semaphore, #tpu.memory_space<semaphore_mem>>)
        %dma_wait3A_190 = arith.constant 0 : i32
        %dma_wait3A_191 = tpu.memref_slice %arg7[%mul3A_185, %dma_wait3A_190] : memref<10240x128xf32, #tpu.memory_space<hbm>> -> memref<640x128xf32, #tpu.memory_space<hbm>>
        %dma_wait3A_192 = arith.constant 0 : i32
        %dma_wait3A_193 = tpu.memref_slice %arg9[%mul3A_183, %dma_wait3A_192] : memref<10240x128xf32, #tpu.memory_space<vmem_shared>> -> memref<640x128xf32, #tpu.memory_space<vmem_shared>>
        tpu.wait_dma2 semaphore(%run_scoped3A : memref<!tpu.dma_semaphore, #tpu.memory_space<semaphore_mem>>) src(%dma_wait3A_193 : memref<640x128xf32, #tpu.memory_space<vmem_shared>>) dst(%dma_wait3A_191 : memref<640x128xf32, #tpu.memory_space<hbm>>)
        tpu.yield
      }) : () -> ()
    } else {
    }
    %eq3A_177 = arith.constant 1 : i32
    %eq3A_178 = arith.cmpi eq, %arg0, %eq3A_177 : i32
    %convert_element_type3A_179 = arith.extui %eq3A_178 : i1 to i32
    %cond3A_180 = arith.constant 0 : i32
    %cond3A_181 = arith.cmpi ne, %convert_element_type3A_179, %cond3A_180 : i32
    scf.if %cond3A_181 {
      %mul3A_182 = arith.constant 640 : i32
      %mul3A_183 = arith.muli %arg1, %mul3A_182 : i32
      %mul3A_184 = arith.constant 640 : i32
      %mul3A_185 = arith.muli %arg1, %mul3A_184 : i32
      "tpu.region"() ({
        %run_scoped3A = tpu.sem_alloc : memref<!tpu.dma_semaphore, #tpu.memory_space<semaphore_mem>>
        %dma_start3A_186 = arith.constant 0 : i32
        %dma_start3A_187 = tpu.memref_slice %arg8[%mul3A_185, %dma_start3A_186] : memref<10240x128xf32, #tpu.memory_space<hbm>> -> memref<640x128xf32, #tpu.memory_space<hbm>>
        %dma_start3A_188 = arith.constant 0 : i32
        %dma_start3A_189 = tpu.memref_slice %arg9[%mul3A_183, %dma_start3A_188] : memref<10240x128xf32, #tpu.memory_space<vmem_shared>> -> memref<640x128xf32, #tpu.memory_space<vmem_shared>>
        tpu.enqueue_dma source(%dma_start3A_189 : memref<640x128xf32, #tpu.memory_space<vmem_shared>>) target(%dma_start3A_187 : memref<640x128xf32, #tpu.memory_space<hbm>>) target_semaphore(%run_scoped3A : memref<!tpu.dma_semaphore, #tpu.memory_space<semaphore_mem>>)
        %dma_wait3A_190 = arith.constant 0 : i32
        %dma_wait3A_191 = tpu.memref_slice %arg8[%mul3A_185, %dma_wait3A_190] : memref<10240x128xf32, #tpu.memory_space<hbm>> -> memref<640x128xf32, #tpu.memory_space<hbm>>
        %dma_wait3A_192 = arith.constant 0 : i32
        %dma_wait3A_193 = tpu.memref_slice %arg9[%mul3A_183, %dma_wait3A_192] : memref<10240x128xf32, #tpu.memory_space<vmem_shared>> -> memref<640x128xf32, #tpu.memory_space<vmem_shared>>
        tpu.wait_dma2 semaphore(%run_scoped3A : memref<!tpu.dma_semaphore, #tpu.memory_space<semaphore_mem>>) src(%dma_wait3A_193 : memref<640x128xf32, #tpu.memory_space<vmem_shared>>) dst(%dma_wait3A_191 : memref<640x128xf32, #tpu.memory_space<hbm>>)
        tpu.yield
      }) : () -> ()
    } else {
    }
    return
  }
}

#map = affine_map<(d0, d1) -> (0, 0, 0)>
#map1 = affine_map<(d0, d1) -> (0)>
module attributes {stable_mosaic.version = 14 : i64} {
  func.func @sc_deg(%arg0: i32, %arg1: i32, %arg2: memref<2528x1x128xi32, #tpu.memory_space<hbm>>, %arg3: memref<128xf32, #tpu.memory_space<hbm>>, %arg4: memref<640xf32, #tpu.memory_space<hbm>>, %arg5: memref<20480xf32, #tpu.memory_space<hbm>>, %arg6: memref<10240xf32, #tpu.memory_space<vmem_shared>>, %arg7: memref<4x1x128xi32, #tpu.memory_space<vmem>>, %arg8: memref<128xf32, #tpu.memory_space<vmem>>, %arg9: memref<4x!tpu.dma_semaphore, #tpu.memory_space<semaphore_mem>>, %arg10: memref<2x!tpu.dma_semaphore, #tpu.memory_space<semaphore_mem>>) attributes {dimension_semantics = [#tpu.dimension_semantics<core_parallel>, #tpu.dimension_semantics<subcore_parallel>], iteration_bounds = array<i64: 2, 16>, scalar_prefetch = 0 : i64, scratch_operands = 5 : i64, tpu.core_type = #tpu.core_type<sc_vector_subcore>, window_params = [{transform_indices = #map}, {transform_indices = #map1}, {transform_indices = #map1}, {transform_indices = #map1}]} {
    "tpu.region"() ({
      %run_scoped3A = tpu.sem_alloc : memref<!tpu.dma_semaphore, #tpu.memory_space<semaphore_mem>>
      tpu.enqueue_dma source(%arg3 : memref<128xf32, #tpu.memory_space<hbm>>) target(%arg8 : memref<128xf32, #tpu.memory_space<vmem>>) target_semaphore(%run_scoped3A : memref<!tpu.dma_semaphore, #tpu.memory_space<semaphore_mem>>)
      tpu.wait_dma2 semaphore(%run_scoped3A : memref<!tpu.dma_semaphore, #tpu.memory_space<semaphore_mem>>) src(%arg3 : memref<128xf32, #tpu.memory_space<hbm>>) dst(%arg8 : memref<128xf32, #tpu.memory_space<vmem>>)
      tpu.yield
    }) : () -> ()
    %mul3A = arith.constant 640 : i32
    %mul3A_0 = arith.muli %arg1, %mul3A : i32
    "tpu.region"() ({
      %run_scoped3A = tpu.sem_alloc : memref<!tpu.dma_semaphore, #tpu.memory_space<semaphore_mem>>
      %dma_start3A_75 = tpu.memref_slice %arg6[%mul3A_0] : memref<10240xf32, #tpu.memory_space<vmem_shared>> -> memref<640xf32, #tpu.memory_space<vmem_shared>>
      tpu.enqueue_dma source(%arg4 : memref<640xf32, #tpu.memory_space<hbm>>) target(%dma_start3A_75 : memref<640xf32, #tpu.memory_space<vmem_shared>>) target_semaphore(%run_scoped3A : memref<!tpu.dma_semaphore, #tpu.memory_space<semaphore_mem>>)
      %dma_wait3A_76 = tpu.memref_slice %arg6[%mul3A_0] : memref<10240xf32, #tpu.memory_space<vmem_shared>> -> memref<640xf32, #tpu.memory_space<vmem_shared>>
      tpu.wait_dma2 semaphore(%run_scoped3A : memref<!tpu.dma_semaphore, #tpu.memory_space<semaphore_mem>>) src(%arg4 : memref<640xf32, #tpu.memory_space<hbm>>) dst(%dma_wait3A_76 : memref<640xf32, #tpu.memory_space<vmem_shared>>)
      tpu.yield
    }) : () -> ()
    %barrier3A = arith.constant 0 : index
    tpu.barrier barrier_id(%barrier3A)
    %mul3A_1 = arith.constant 16 : i32
    %mul3A_2 = arith.muli %arg0, %mul3A_1 : i32
    %add3A = arith.addi %mul3A_2, %arg1 : i32
    %mul3A_3 = arith.constant 79 : i32
    %mul3A_4 = arith.muli %add3A, %mul3A_3 : i32
    %rem3A = arith.constant 0 : i32
    %rem3A_5 = arith.constant 4 : i32
    %rem3A_6 = arith.remsi %rem3A, %rem3A_5 : i32
    %add3A_7 = arith.constant 0 : i32
    %add3A_8 = arith.addi %mul3A_4, %add3A_7 : i32
    %dma_start3A = arith.constant 0 : i32
    %dma_start3A_9 = arith.constant 0 : i32
    %dma_start3A_10 = tpu.memref_slice %arg7[%rem3A_6, %dma_start3A, %dma_start3A_9] : memref<4x1x128xi32, #tpu.memory_space<vmem>> -> memref<1x1x128xi32, #tpu.memory_space<vmem>>
    %dma_start3A_11 = tpu.memref_squeeze %dma_start3A_10 : memref<1x1x128xi32, #tpu.memory_space<vmem>> -> memref<1x128xi32, #tpu.memory_space<vmem>>
    %dma_start3A_12 = arith.constant 0 : i32
    %dma_start3A_13 = arith.constant 0 : i32
    %dma_start3A_14 = tpu.memref_slice %arg2[%add3A_8, %dma_start3A_12, %dma_start3A_13] : memref<2528x1x128xi32, #tpu.memory_space<hbm>> -> memref<1x1x128xi32, #tpu.memory_space<hbm>>
    %dma_start3A_15 = tpu.memref_squeeze %dma_start3A_14 : memref<1x1x128xi32, #tpu.memory_space<hbm>> -> memref<1x128xi32, #tpu.memory_space<hbm>>
    %dma_start3A_16 = tpu.memref_slice %arg9[%rem3A_6] : memref<4x!tpu.dma_semaphore, #tpu.memory_space<semaphore_mem>> -> memref<1x!tpu.dma_semaphore, #tpu.memory_space<semaphore_mem>>
    %dma_start3A_17 = tpu.memref_squeeze %dma_start3A_16 : memref<1x!tpu.dma_semaphore, #tpu.memory_space<semaphore_mem>> -> memref<!tpu.dma_semaphore, #tpu.memory_space<semaphore_mem>>
    %dma_start3A_18 = arith.constant 0 : i32
    %dma_start3A_19 = arith.constant 0 : i32
    %dma_start3A_20 = tpu.memref_slice %arg7[%rem3A_6, %dma_start3A_18, %dma_start3A_19] : memref<4x1x128xi32, #tpu.memory_space<vmem>> -> memref<1x1x128xi32, #tpu.memory_space<vmem>>
    %dma_start3A_21 = tpu.memref_squeeze %dma_start3A_20 : memref<1x1x128xi32, #tpu.memory_space<vmem>> -> memref<1x128xi32, #tpu.memory_space<vmem>>
    %dma_start3A_22 = arith.constant 0 : i32
    %dma_start3A_23 = arith.constant 0 : i32
    %dma_start3A_24 = tpu.memref_slice %arg2[%add3A_8, %dma_start3A_22, %dma_start3A_23] : memref<2528x1x128xi32, #tpu.memory_space<hbm>> -> memref<1x1x128xi32, #tpu.memory_space<hbm>>
    %dma_start3A_25 = tpu.memref_squeeze %dma_start3A_24 : memref<1x1x128xi32, #tpu.memory_space<hbm>> -> memref<1x128xi32, #tpu.memory_space<hbm>>
    tpu.enqueue_dma source(%dma_start3A_25 : memref<1x128xi32, #tpu.memory_space<hbm>>) target(%dma_start3A_21 : memref<1x128xi32, #tpu.memory_space<vmem>>) target_semaphore(%dma_start3A_17 : memref<!tpu.dma_semaphore, #tpu.memory_space<semaphore_mem>>)
    %rem3A_26 = arith.constant 1 : i32
    %rem3A_27 = arith.constant 4 : i32
    %rem3A_28 = arith.remsi %rem3A_26, %rem3A_27 : i32
    %add3A_29 = arith.constant 1 : i32
    %add3A_30 = arith.addi %mul3A_4, %add3A_29 : i32
    %dma_start3A_31 = arith.constant 0 : i32
    %dma_start3A_32 = arith.constant 0 : i32
    %dma_start3A_33 = tpu.memref_slice %arg7[%rem3A_28, %dma_start3A_31, %dma_start3A_32] : memref<4x1x128xi32, #tpu.memory_space<vmem>> -> memref<1x1x128xi32, #tpu.memory_space<vmem>>
    %dma_start3A_34 = tpu.memref_squeeze %dma_start3A_33 : memref<1x1x128xi32, #tpu.memory_space<vmem>> -> memref<1x128xi32, #tpu.memory_space<vmem>>
    %dma_start3A_35 = arith.constant 0 : i32
    %dma_start3A_36 = arith.constant 0 : i32
    %dma_start3A_37 = tpu.memref_slice %arg2[%add3A_30, %dma_start3A_35, %dma_start3A_36] : memref<2528x1x128xi32, #tpu.memory_space<hbm>> -> memref<1x1x128xi32, #tpu.memory_space<hbm>>
    %dma_start3A_38 = tpu.memref_squeeze %dma_start3A_37 : memref<1x1x128xi32, #tpu.memory_space<hbm>> -> memref<1x128xi32, #tpu.memory_space<hbm>>
    %dma_start3A_39 = tpu.memref_slice %arg9[%rem3A_28] : memref<4x!tpu.dma_semaphore, #tpu.memory_space<semaphore_mem>> -> memref<1x!tpu.dma_semaphore, #tpu.memory_space<semaphore_mem>>
    %dma_start3A_40 = tpu.memref_squeeze %dma_start3A_39 : memref<1x!tpu.dma_semaphore, #tpu.memory_space<semaphore_mem>> -> memref<!tpu.dma_semaphore, #tpu.memory_space<semaphore_mem>>
    %dma_start3A_41 = arith.constant 0 : i32
    %dma_start3A_42 = arith.constant 0 : i32
    %dma_start3A_43 = tpu.memref_slice %arg7[%rem3A_28, %dma_start3A_41, %dma_start3A_42] : memref<4x1x128xi32, #tpu.memory_space<vmem>> -> memref<1x1x128xi32, #tpu.memory_space<vmem>>
    %dma_start3A_44 = tpu.memref_squeeze %dma_start3A_43 : memref<1x1x128xi32, #tpu.memory_space<vmem>> -> memref<1x128xi32, #tpu.memory_space<vmem>>
    %dma_start3A_45 = arith.constant 0 : i32
    %dma_start3A_46 = arith.constant 0 : i32
    %dma_start3A_47 = tpu.memref_slice %arg2[%add3A_30, %dma_start3A_45, %dma_start3A_46] : memref<2528x1x128xi32, #tpu.memory_space<hbm>> -> memref<1x1x128xi32, #tpu.memory_space<hbm>>
    %dma_start3A_48 = tpu.memref_squeeze %dma_start3A_47 : memref<1x1x128xi32, #tpu.memory_space<hbm>> -> memref<1x128xi32, #tpu.memory_space<hbm>>
    tpu.enqueue_dma source(%dma_start3A_48 : memref<1x128xi32, #tpu.memory_space<hbm>>) target(%dma_start3A_44 : memref<1x128xi32, #tpu.memory_space<vmem>>) target_semaphore(%dma_start3A_40 : memref<!tpu.dma_semaphore, #tpu.memory_space<semaphore_mem>>)
    %scan3A = arith.constant 0 : i32
    %scan3A_49 = arith.constant 79 : i32
    %scan3A_50 = arith.addi %scan3A, %scan3A_49 : i32
    %scan3A_51 = arith.constant 1 : i32
    scf.for %scan3A_75 = %scan3A to %scan3A_50 step %scan3A_51  : i32 {
      %ge3A = arith.constant 2 : i32
      %ge3A_76 = arith.cmpi sge, %scan3A_75, %ge3A : i32
      %convert_element_type3A_77 = arith.extui %ge3A_76 : i1 to i32
      %cond3A_78 = arith.constant 0 : i32
      %cond3A_79 = arith.cmpi ne, %convert_element_type3A_77, %cond3A_78 : i32
      scf.if %cond3A_79 {
        %rem3A_118 = arith.constant 2 : i32
        %rem3A_119 = arith.remsi %scan3A_75, %rem3A_118 : i32
        %dma_wait3A_120 = arith.constant 0 : i32
        %dma_wait3A_121 = arith.constant 0 : i32
        %dma_wait3A_122 = arith.constant 0 : i32
        %dma_wait3A_123 = tpu.memref_slice %arg7[%dma_wait3A_120, %dma_wait3A_121, %dma_wait3A_122] : memref<4x1x128xi32, #tpu.memory_space<vmem>> -> memref<1x1x128xi32, #tpu.memory_space<vmem>>
        %dma_wait3A_124 = tpu.memref_squeeze %dma_wait3A_123 : memref<1x1x128xi32, #tpu.memory_space<vmem>> -> memref<128xi32, #tpu.memory_space<vmem>>
        %dma_wait3A_125 = arith.constant 0 : i32
        %dma_wait3A_126 = tpu.memref_slice %arg6[%dma_wait3A_125] : memref<10240xf32, #tpu.memory_space<vmem_shared>> -> memref<10240xf32, #tpu.memory_space<vmem_shared>>
        %dma_wait3A_127 = tpu.memref_slice %arg10[%rem3A_119] : memref<2x!tpu.dma_semaphore, #tpu.memory_space<semaphore_mem>> -> memref<1x!tpu.dma_semaphore, #tpu.memory_space<semaphore_mem>>
        %dma_wait3A_128 = tpu.memref_squeeze %dma_wait3A_127 : memref<1x!tpu.dma_semaphore, #tpu.memory_space<semaphore_mem>> -> memref<!tpu.dma_semaphore, #tpu.memory_space<semaphore_mem>>
        tpu.wait_indirect_dma semaphore(%dma_wait3A_128 : memref<!tpu.dma_semaphore, #tpu.memory_space<semaphore_mem>>) src(%arg8 : memref<128xf32, #tpu.memory_space<vmem>>) dst(%dma_wait3A_126 : memref<10240xf32, #tpu.memory_space<vmem_shared>>)
      } else {
      }
      %add3A_80 = arith.constant 2 : i32
      %add3A_81 = arith.addi %scan3A_75, %add3A_80 : i32
      %lt3A = arith.constant 79 : i32
      %lt3A_82 = arith.cmpi slt, %add3A_81, %lt3A : i32
      %convert_element_type3A_83 = arith.extui %lt3A_82 : i1 to i32
      %cond3A_84 = arith.constant 0 : i32
      %cond3A_85 = arith.cmpi ne, %convert_element_type3A_83, %cond3A_84 : i32
      scf.if %cond3A_85 {
        %add3A_118 = arith.constant 2 : i32
        %add3A_119 = arith.addi %scan3A_75, %add3A_118 : i32
        %rem3A_120 = arith.constant 4 : i32
        %rem3A_121 = arith.remsi %add3A_119, %rem3A_120 : i32
        %add3A_122 = arith.addi %mul3A_4, %add3A_119 : i32
        %dma_start3A_123 = arith.constant 0 : i32
        %dma_start3A_124 = arith.constant 0 : i32
        %dma_start3A_125 = tpu.memref_slice %arg7[%rem3A_121, %dma_start3A_123, %dma_start3A_124] : memref<4x1x128xi32, #tpu.memory_space<vmem>> -> memref<1x1x128xi32, #tpu.memory_space<vmem>>
        %dma_start3A_126 = tpu.memref_squeeze %dma_start3A_125 : memref<1x1x128xi32, #tpu.memory_space<vmem>> -> memref<1x128xi32, #tpu.memory_space<vmem>>
        %dma_start3A_127 = arith.constant 0 : i32
        %dma_start3A_128 = arith.constant 0 : i32
        %dma_start3A_129 = tpu.memref_slice %arg2[%add3A_122, %dma_start3A_127, %dma_start3A_128] : memref<2528x1x128xi32, #tpu.memory_space<hbm>> -> memref<1x1x128xi32, #tpu.memory_space<hbm>>
        %dma_start3A_130 = tpu.memref_squeeze %dma_start3A_129 : memref<1x1x128xi32, #tpu.memory_space<hbm>> -> memref<1x128xi32, #tpu.memory_space<hbm>>
        %dma_start3A_131 = tpu.memref_slice %arg9[%rem3A_121] : memref<4x!tpu.dma_semaphore, #tpu.memory_space<semaphore_mem>> -> memref<1x!tpu.dma_semaphore, #tpu.memory_space<semaphore_mem>>
        %dma_start3A_132 = tpu.memref_squeeze %dma_start3A_131 : memref<1x!tpu.dma_semaphore, #tpu.memory_space<semaphore_mem>> -> memref<!tpu.dma_semaphore, #tpu.memory_space<semaphore_mem>>
        %dma_start3A_133 = arith.constant 0 : i32
        %dma_start3A_134 = arith.constant 0 : i32
        %dma_start3A_135 = tpu.memref_slice %arg7[%rem3A_121, %dma_start3A_133, %dma_start3A_134] : memref<4x1x128xi32, #tpu.memory_space<vmem>> -> memref<1x1x128xi32, #tpu.memory_space<vmem>>
        %dma_start3A_136 = tpu.memref_squeeze %dma_start3A_135 : memref<1x1x128xi32, #tpu.memory_space<vmem>> -> memref<1x128xi32, #tpu.memory_space<vmem>>
        %dma_start3A_137 = arith.constant 0 : i32
        %dma_start3A_138 = arith.constant 0 : i32
        %dma_start3A_139 = tpu.memref_slice %arg2[%add3A_122, %dma_start3A_137, %dma_start3A_138] : memref<2528x1x128xi32, #tpu.memory_space<hbm>> -> memref<1x1x128xi32, #tpu.memory_space<hbm>>
        %dma_start3A_140 = tpu.memref_squeeze %dma_start3A_139 : memref<1x1x128xi32, #tpu.memory_space<hbm>> -> memref<1x128xi32, #tpu.memory_space<hbm>>
        tpu.enqueue_dma source(%dma_start3A_140 : memref<1x128xi32, #tpu.memory_space<hbm>>) target(%dma_start3A_136 : memref<1x128xi32, #tpu.memory_space<vmem>>) target_semaphore(%dma_start3A_132 : memref<!tpu.dma_semaphore, #tpu.memory_space<semaphore_mem>>)
      } else {
      }
      %rem3A_86 = arith.constant 4 : i32
      %rem3A_87 = arith.remsi %scan3A_75, %rem3A_86 : i32
      %dma_wait3A_88 = arith.constant 0 : i32
      %dma_wait3A_89 = arith.constant 0 : i32
      %dma_wait3A_90 = tpu.memref_slice %arg7[%rem3A_87, %dma_wait3A_88, %dma_wait3A_89] : memref<4x1x128xi32, #tpu.memory_space<vmem>> -> memref<1x1x128xi32, #tpu.memory_space<vmem>>
      %dma_wait3A_91 = tpu.memref_squeeze %dma_wait3A_90 : memref<1x1x128xi32, #tpu.memory_space<vmem>> -> memref<1x128xi32, #tpu.memory_space<vmem>>
      %dma_wait3A_92 = arith.constant 0 : i32
      %dma_wait3A_93 = arith.constant 0 : i32
      %dma_wait3A_94 = tpu.memref_slice %arg2[%mul3A_4, %dma_wait3A_92, %dma_wait3A_93] : memref<2528x1x128xi32, #tpu.memory_space<hbm>> -> memref<1x1x128xi32, #tpu.memory_space<hbm>>
      %dma_wait3A_95 = tpu.memref_squeeze %dma_wait3A_94 : memref<1x1x128xi32, #tpu.memory_space<hbm>> -> memref<1x128xi32, #tpu.memory_space<hbm>>
      %dma_wait3A_96 = tpu.memref_slice %arg9[%rem3A_87] : memref<4x!tpu.dma_semaphore, #tpu.memory_space<semaphore_mem>> -> memref<1x!tpu.dma_semaphore, #tpu.memory_space<semaphore_mem>>
      %dma_wait3A_97 = tpu.memref_squeeze %dma_wait3A_96 : memref<1x!tpu.dma_semaphore, #tpu.memory_space<semaphore_mem>> -> memref<!tpu.dma_semaphore, #tpu.memory_space<semaphore_mem>>
      %dma_wait3A_98 = arith.constant 0 : i32
      %dma_wait3A_99 = arith.constant 0 : i32
      %dma_wait3A_100 = tpu.memref_slice %arg7[%rem3A_87, %dma_wait3A_98, %dma_wait3A_99] : memref<4x1x128xi32, #tpu.memory_space<vmem>> -> memref<1x1x128xi32, #tpu.memory_space<vmem>>
      %dma_wait3A_101 = tpu.memref_squeeze %dma_wait3A_100 : memref<1x1x128xi32, #tpu.memory_space<vmem>> -> memref<1x128xi32, #tpu.memory_space<vmem>>
      %dma_wait3A_102 = arith.constant 0 : i32
      %dma_wait3A_103 = arith.constant 0 : i32
      %dma_wait3A_104 = tpu.memref_slice %arg2[%mul3A_4, %dma_wait3A_102, %dma_wait3A_103] : memref<2528x1x128xi32, #tpu.memory_space<hbm>> -> memref<1x1x128xi32, #tpu.memory_space<hbm>>
      %dma_wait3A_105 = tpu.memref_squeeze %dma_wait3A_104 : memref<1x1x128xi32, #tpu.memory_space<hbm>> -> memref<1x128xi32, #tpu.memory_space<hbm>>
      tpu.wait_dma2 semaphore(%dma_wait3A_97 : memref<!tpu.dma_semaphore, #tpu.memory_space<semaphore_mem>>) src(%dma_wait3A_105 : memref<1x128xi32, #tpu.memory_space<hbm>>) dst(%dma_wait3A_101 : memref<1x128xi32, #tpu.memory_space<vmem>>)
      %rem3A_106 = arith.constant 4 : i32
      %rem3A_107 = arith.remsi %scan3A_75, %rem3A_106 : i32
      %rem3A_108 = arith.constant 2 : i32
      %rem3A_109 = arith.remsi %scan3A_75, %rem3A_108 : i32
      %dma_start3A_110 = arith.constant 0 : i32
      %dma_start3A_111 = arith.constant 0 : i32
      %dma_start3A_112 = tpu.memref_slice %arg7[%rem3A_107, %dma_start3A_110, %dma_start3A_111] : memref<4x1x128xi32, #tpu.memory_space<vmem>> -> memref<1x1x128xi32, #tpu.memory_space<vmem>>
      %dma_start3A_113 = tpu.memref_squeeze %dma_start3A_112 : memref<1x1x128xi32, #tpu.memory_space<vmem>> -> memref<128xi32, #tpu.memory_space<vmem>>
      %dma_start3A_114 = arith.constant 0 : i32
      %dma_start3A_115 = tpu.memref_slice %arg6[%dma_start3A_114] : memref<10240xf32, #tpu.memory_space<vmem_shared>> -> memref<10240xf32, #tpu.memory_space<vmem_shared>>
      %dma_start3A_116 = tpu.memref_slice %arg10[%rem3A_109] : memref<2x!tpu.dma_semaphore, #tpu.memory_space<semaphore_mem>> -> memref<1x!tpu.dma_semaphore, #tpu.memory_space<semaphore_mem>>
      %dma_start3A_117 = tpu.memref_squeeze %dma_start3A_116 : memref<1x!tpu.dma_semaphore, #tpu.memory_space<semaphore_mem>> -> memref<!tpu.dma_semaphore, #tpu.memory_space<semaphore_mem>>
      tpu.enqueue_indirect_dma source(%arg8 : memref<128xf32, #tpu.memory_space<vmem>>) target(%dma_start3A_115 : memref<10240xf32, #tpu.memory_space<vmem_shared>>) offsets(%dma_start3A_113 : memref<128xi32, #tpu.memory_space<vmem>>) semaphore(%dma_start3A_117 : memref<!tpu.dma_semaphore, #tpu.memory_space<semaphore_mem>>) {add = true}
    }
    %scan3A_52 = arith.constant 79 : i32
    %dma_wait3A = arith.constant 0 : i32
    %dma_wait3A_53 = arith.constant 0 : i32
    %dma_wait3A_54 = arith.constant 1 : i32
    %dma_wait3A_55 = arith.constant 0 : i32
    %dma_wait3A_56 = tpu.memref_slice %arg7[%dma_wait3A, %dma_wait3A_53, %dma_wait3A_55] : memref<4x1x128xi32, #tpu.memory_space<vmem>> -> memref<1x1x128xi32, #tpu.memory_space<vmem>>
    %dma_wait3A_57 = tpu.memref_squeeze %dma_wait3A_56 : memref<1x1x128xi32, #tpu.memory_space<vmem>> -> memref<128xi32, #tpu.memory_space<vmem>>
    %dma_wait3A_58 = arith.constant 0 : i32
    %dma_wait3A_59 = tpu.memref_slice %arg6[%dma_wait3A_58] : memref<10240xf32, #tpu.memory_space<vmem_shared>> -> memref<10240xf32, #tpu.memory_space<vmem_shared>>
    %dma_wait3A_60 = tpu.memref_slice %arg10[%dma_wait3A_54] : memref<2x!tpu.dma_semaphore, #tpu.memory_space<semaphore_mem>> -> memref<1x!tpu.dma_semaphore, #tpu.memory_space<semaphore_mem>>
    %dma_wait3A_61 = tpu.memref_squeeze %dma_wait3A_60 : memref<1x!tpu.dma_semaphore, #tpu.memory_space<semaphore_mem>> -> memref<!tpu.dma_semaphore, #tpu.memory_space<semaphore_mem>>
    tpu.wait_indirect_dma semaphore(%dma_wait3A_61 : memref<!tpu.dma_semaphore, #tpu.memory_space<semaphore_mem>>) src(%arg8 : memref<128xf32, #tpu.memory_space<vmem>>) dst(%dma_wait3A_59 : memref<10240xf32, #tpu.memory_space<vmem_shared>>)
    %dma_wait3A_62 = arith.constant 0 : i32
    %dma_wait3A_63 = arith.constant 0 : i32
    %dma_wait3A_64 = arith.constant 0 : i32
    %dma_wait3A_65 = arith.constant 0 : i32
    %dma_wait3A_66 = tpu.memref_slice %arg7[%dma_wait3A_62, %dma_wait3A_63, %dma_wait3A_65] : memref<4x1x128xi32, #tpu.memory_space<vmem>> -> memref<1x1x128xi32, #tpu.memory_space<vmem>>
    %dma_wait3A_67 = tpu.memref_squeeze %dma_wait3A_66 : memref<1x1x128xi32, #tpu.memory_space<vmem>> -> memref<128xi32, #tpu.memory_space<vmem>>
    %dma_wait3A_68 = arith.constant 0 : i32
    %dma_wait3A_69 = tpu.memref_slice %arg6[%dma_wait3A_68] : memref<10240xf32, #tpu.memory_space<vmem_shared>> -> memref<10240xf32, #tpu.memory_space<vmem_shared>>
    %dma_wait3A_70 = tpu.memref_slice %arg10[%dma_wait3A_64] : memref<2x!tpu.dma_semaphore, #tpu.memory_space<semaphore_mem>> -> memref<1x!tpu.dma_semaphore, #tpu.memory_space<semaphore_mem>>
    %dma_wait3A_71 = tpu.memref_squeeze %dma_wait3A_70 : memref<1x!tpu.dma_semaphore, #tpu.memory_space<semaphore_mem>> -> memref<!tpu.dma_semaphore, #tpu.memory_space<semaphore_mem>>
    tpu.wait_indirect_dma semaphore(%dma_wait3A_71 : memref<!tpu.dma_semaphore, #tpu.memory_space<semaphore_mem>>) src(%arg8 : memref<128xf32, #tpu.memory_space<vmem>>) dst(%dma_wait3A_69 : memref<10240xf32, #tpu.memory_space<vmem_shared>>)
    %barrier3A_72 = arith.constant 0 : index
    tpu.barrier barrier_id(%barrier3A_72)
    %eq3A = arith.constant 0 : i32
    %eq3A_73 = arith.cmpi eq, %arg1, %eq3A : i32
    %convert_element_type3A = arith.extui %eq3A_73 : i1 to i32
    %cond3A = arith.constant 0 : i32
    %cond3A_74 = arith.cmpi ne, %convert_element_type3A, %cond3A : i32
    scf.if %cond3A_74 {
      %mul3A_75 = arith.constant 10240 : i32
      %mul3A_76 = arith.muli %arg0, %mul3A_75 : i32
      "tpu.region"() ({
        %run_scoped3A = tpu.sem_alloc : memref<!tpu.dma_semaphore, #tpu.memory_space<semaphore_mem>>
        %dma_start3A_77 = tpu.memref_slice %arg5[%mul3A_76] : memref<20480xf32, #tpu.memory_space<hbm>> -> memref<10240xf32, #tpu.memory_space<hbm>>
        tpu.enqueue_dma source(%arg6 : memref<10240xf32, #tpu.memory_space<vmem_shared>>) target(%dma_start3A_77 : memref<10240xf32, #tpu.memory_space<hbm>>) target_semaphore(%run_scoped3A : memref<!tpu.dma_semaphore, #tpu.memory_space<semaphore_mem>>)
        %dma_wait3A_78 = tpu.memref_slice %arg5[%mul3A_76] : memref<20480xf32, #tpu.memory_space<hbm>> -> memref<10240xf32, #tpu.memory_space<hbm>>
        tpu.wait_dma2 semaphore(%run_scoped3A : memref<!tpu.dma_semaphore, #tpu.memory_space<semaphore_mem>>) src(%arg6 : memref<10240xf32, #tpu.memory_space<vmem_shared>>) dst(%dma_wait3A_78 : memref<10240xf32, #tpu.memory_space<hbm>>)
        tpu.yield
      }) : () -> ()
    } else {
    }
    return
  }
}

module attributes {stable_mosaic.version = 14 : i64} {
  func.func @body(%arg0: i32, %arg1: memref<400x128xf32, #tpu.memory_space<vmem>>, %arg2: memref<128x256xf32, #tpu.memory_space<vmem>>, %arg3: memref<400x1xf32, #tpu.memory_space<vmem>>, %arg4: memref<400x1xf32, #tpu.memory_space<vmem>>, %arg5: memref<400x128xf32, #tpu.memory_space<vmem>>, %arg6: memref<400x128xf32, #tpu.memory_space<vmem>>) attributes {dimension_semantics = [#tpu.dimension_semantics<arbitrary>], iteration_bounds = array<i64: 25>, scalar_prefetch = 0 : i64, scratch_operands = 0 : i64, tpu.core_type = #tpu.core_type<tc>, window_params = [{transform_indices = @transform_0, window_bounds = array<i64: 400, 128>}, {pipeline_mode = #tpu.pipeline_mode<synchronous>, transform_indices = @transform_1, window_bounds = array<i64: 128, 256>}, {transform_indices = @transform_2, window_bounds = array<i64: 400, 1>}, {transform_indices = @transform_3, window_bounds = array<i64: 400, 1>}, {transform_indices = @transform_4, window_bounds = array<i64: 400, 128>}, {transform_indices = @transform_5, window_bounds = array<i64: 400, 128>}]} {
    %get3A = arith.constant 0 : index
    %get3A_0 = arith.constant 0 : index
    %get3A_1 = vector.load %arg3[%get3A, %get3A_0] : memref<400x1xf32, #tpu.memory_space<vmem>>, vector<400x1xf32>
    %get3A_2 = arith.constant 0 : index
    %get3A_3 = arith.constant 0 : index
    %get3A_4 = vector.load %arg4[%get3A_2, %get3A_3] : memref<400x1xf32, #tpu.memory_space<vmem>>, vector<400x1xf32>
    %add3A = arith.addf %get3A_1, %get3A_4 : vector<400x1xf32>
    %add3A_5 = arith.constant 1.000000e+00 : f32
    %add3A_6 = vector.broadcast %add3A_5 : f32 to vector<400x1xf32>
    %add3A_7 = arith.addf %add3A, %add3A_6 : vector<400x1xf32>
    %rsqrt3A = math.rsqrt %add3A_7 : vector<400x1xf32>
    %get3A_8 = arith.constant 0 : index
    %get3A_9 = arith.constant 0 : index
    %get3A_10 = vector.load %arg1[%get3A_8, %get3A_9] : memref<400x128xf32, #tpu.memory_space<vmem>>, vector<400x128xf32>
    %get3A_11 = arith.constant 0 : index
    %get3A_12 = arith.constant 0 : index
    %get3A_13 = vector.load %arg2[%get3A_11, %get3A_12] : memref<128x256xf32, #tpu.memory_space<vmem>>, vector<128x256xf32>
    %dot_general3A = arith.constant dense<0.000000e+00> : vector<400x256xf32>
    %dot_general3A_14 = tpu.matmul %get3A_10, %get3A_13, %dot_general3A {dimension_numbers = #tpu.dot_dimension_numbers<[1], [0], [0], [1], [0, 0, 1, 1], [], []>, transpose_lhs_hint = false} : vector<400x128xf32>, vector<128x256xf32>, vector<400x256xf32> -> vector<400x256xf32>
    %mul3A = vector.broadcast %rsqrt3A : vector<400x1xf32> to vector<400x256xf32>
    %mul3A_15 = arith.mulf %dot_general3A_14, %mul3A : vector<400x256xf32>
    %slice3A = vector.extract_strided_slice %mul3A_15 {offsets = [0, 0], sizes = [400, 128], strides = [1, 1]} : vector<400x256xf32> to vector<400x128xf32>
    %swap3A = arith.constant 0 : index
    %swap3A_16 = arith.constant 0 : index
    %swap3A_17 = vector.load %arg5[%swap3A, %swap3A_16] : memref<400x128xf32, #tpu.memory_space<vmem>>, vector<400x128xf32>
    tpu.vector_store %arg5[%swap3A, %swap3A_16], %slice3A {strides = array<i32>} : memref<400x128xf32, #tpu.memory_space<vmem>>, vector<400x128xf32>,
    %slice3A_18 = vector.extract_strided_slice %mul3A_15 {offsets = [0, 128], sizes = [400, 128], strides = [1, 1]} : vector<400x256xf32> to vector<400x128xf32>
    %swap3A_19 = arith.constant 0 : index
    %swap3A_20 = arith.constant 0 : index
    %swap3A_21 = vector.load %arg6[%swap3A_19, %swap3A_20] : memref<400x128xf32, #tpu.memory_space<vmem>>, vector<400x128xf32>
    tpu.vector_store %arg6[%swap3A_19, %swap3A_20], %slice3A_18 {strides = array<i32>} : memref<400x128xf32, #tpu.memory_space<vmem>>, vector<400x128xf32>,
    return
  }
  func.func @transform_0(%arg0: i32) -> (i32, i32) {
    %c0_i32 = arith.constant 0 : i32
    %c0_i32_0 = arith.constant 0 : i32
    return %arg0, %c0_i32 : i32, i32
  }
  func.func @transform_1(%arg0: i32) -> (i32, i32) {
    %c0_i32 = arith.constant 0 : i32
    %c0_i32_0 = arith.constant 0 : i32
    %c0_i32_1 = arith.constant 0 : i32
    return %c0_i32, %c0_i32_0 : i32, i32
  }
  func.func @transform_2(%arg0: i32) -> (i32, i32) {
    %c0_i32 = arith.constant 0 : i32
    %c0_i32_0 = arith.constant 0 : i32
    return %arg0, %c0_i32 : i32, i32
  }
  func.func @transform_3(%arg0: i32) -> (i32, i32) {
    %c0_i32 = arith.constant 0 : i32
    %c0_i32_0 = arith.constant 0 : i32
    return %arg0, %c0_i32 : i32, i32
  }
  func.func @transform_4(%arg0: i32) -> (i32, i32) {
    %c0_i32 = arith.constant 0 : i32
    %c0_i32_0 = arith.constant 0 : i32
    return %arg0, %c0_i32 : i32, i32
  }
  func.func @transform_5(%arg0: i32) -> (i32, i32) {
    %c0_i32 = arith.constant 0 : i32
    %c0_i32_0 = arith.constant 0 : i32
    return %arg0, %c0_i32 : i32, i32
  }
}

module attributes {stable_mosaic.version = 14 : i64} {
  func.func @body(%arg0: i32, %arg1: memref<400x128xf32, #tpu.memory_space<vmem>>, %arg2: memref<400x128xf32, #tpu.memory_space<vmem>>, %arg3: memref<400x128xf32, #tpu.memory_space<vmem>>, %arg4: memref<400x128xf32, #tpu.memory_space<vmem>>, %arg5: memref<400x1xf32, #tpu.memory_space<vmem>>, %arg6: memref<400x1xf32, #tpu.memory_space<vmem>>, %arg7: memref<1x256xf32, #tpu.memory_space<vmem>>, %arg8: memref<1x256xf32, #tpu.memory_space<vmem>>, %arg9: memref<400x256xf32, #tpu.memory_space<vmem>>) attributes {dimension_semantics = [#tpu.dimension_semantics<arbitrary>], iteration_bounds = array<i64: 25>, scalar_prefetch = 0 : i64, scratch_operands = 0 : i64, tpu.core_type = #tpu.core_type<tc>, window_params = [{transform_indices = @transform_0, window_bounds = array<i64: 400, 128>}, {transform_indices = @transform_1, window_bounds = array<i64: 400, 128>}, {transform_indices = @transform_2, window_bounds = array<i64: 400, 128>}, {transform_indices = @transform_3, window_bounds = array<i64: 400, 128>}, {transform_indices = @transform_4, window_bounds = array<i64: 400, 1>}, {transform_indices = @transform_5, window_bounds = array<i64: 400, 1>}, {pipeline_mode = #tpu.pipeline_mode<synchronous>, transform_indices = @transform_6, window_bounds = array<i64: 1, 256>}, {pipeline_mode = #tpu.pipeline_mode<synchronous>, transform_indices = @transform_7, window_bounds = array<i64: 1, 256>}, {transform_indices = @transform_8, window_bounds = array<i64: 400, 256>}]} {
    %get3A = arith.constant 0 : index
    %get3A_0 = arith.constant 0 : index
    %get3A_1 = vector.load %arg5[%get3A, %get3A_0] : memref<400x1xf32, #tpu.memory_space<vmem>>, vector<400x1xf32>
    %get3A_2 = arith.constant 0 : index
    %get3A_3 = arith.constant 0 : index
    %get3A_4 = vector.load %arg6[%get3A_2, %get3A_3] : memref<400x1xf32, #tpu.memory_space<vmem>>, vector<400x1xf32>
    %add3A = arith.addf %get3A_1, %get3A_4 : vector<400x1xf32>
    %add3A_5 = arith.constant 1.000000e+00 : f32
    %add3A_6 = vector.broadcast %add3A_5 : f32 to vector<400x1xf32>
    %add3A_7 = arith.addf %add3A, %add3A_6 : vector<400x1xf32>
    %rsqrt3A = math.rsqrt %add3A_7 : vector<400x1xf32>
    %get3A_8 = arith.constant 0 : index
    %get3A_9 = arith.constant 0 : index
    %get3A_10 = vector.load %arg1[%get3A_8, %get3A_9] : memref<400x128xf32, #tpu.memory_space<vmem>>, vector<400x128xf32>
    %get3A_11 = arith.constant 0 : index
    %get3A_12 = arith.constant 0 : index
    %get3A_13 = vector.load %arg3[%get3A_11, %get3A_12] : memref<400x128xf32, #tpu.memory_space<vmem>>, vector<400x128xf32>
    %add3A_14 = arith.addf %get3A_10, %get3A_13 : vector<400x128xf32>
    %get3A_15 = arith.constant 0 : index
    %get3A_16 = arith.constant 0 : index
    %get3A_17 = vector.load %arg2[%get3A_15, %get3A_16] : memref<400x128xf32, #tpu.memory_space<vmem>>, vector<400x128xf32>
    %get3A_18 = arith.constant 0 : index
    %get3A_19 = arith.constant 0 : index
    %get3A_20 = vector.load %arg4[%get3A_18, %get3A_19] : memref<400x128xf32, #tpu.memory_space<vmem>>, vector<400x128xf32>
    %add3A_21 = arith.addf %get3A_17, %get3A_20 : vector<400x128xf32>
    %concatenate3A = tpu.concatenate %add3A_14, %add3A_21 in 1 : vector<400x128xf32>, vector<400x128xf32> -> vector<400x256xf32>
    %mul3A = vector.broadcast %rsqrt3A : vector<400x1xf32> to vector<400x256xf32>
    %mul3A_22 = arith.mulf %concatenate3A, %mul3A : vector<400x256xf32>
    %get3A_23 = arith.constant 0 : index
    %get3A_24 = arith.constant 0 : index
    %get3A_25 = vector.load %arg7[%get3A_23, %get3A_24] : memref<1x256xf32, #tpu.memory_space<vmem>>, vector<1x256xf32>
    %add3A_26 = vector.broadcast %get3A_25 : vector<1x256xf32> to vector<400x256xf32>
    %add3A_27 = arith.addf %mul3A_22, %add3A_26 : vector<400x256xf32>
    %gt3A = arith.constant 0.000000e+00 : f32
    %gt3A_28 = vector.broadcast %gt3A : f32 to vector<400x256xf32>
    %gt3A_29 = arith.cmpf ogt, %add3A_27, %gt3A_28 : vector<400x256xf32>
    %get3A_30 = arith.constant 0 : index
    %get3A_31 = arith.constant 0 : index
    %get3A_32 = vector.load %arg8[%get3A_30, %get3A_31] : memref<1x256xf32, #tpu.memory_space<vmem>>, vector<1x256xf32>
    %mul3A_33 = vector.broadcast %get3A_32 : vector<1x256xf32> to vector<400x256xf32>
    %mul3A_34 = arith.mulf %mul3A_33, %add3A_27 : vector<400x256xf32>
    %select_n3A = arith.select %gt3A_29, %add3A_27, %mul3A_34 : vector<400x256xi1>, vector<400x256xf32>
    %swap3A = arith.constant 0 : index
    %swap3A_35 = arith.constant 0 : index
    %swap3A_36 = vector.load %arg9[%swap3A, %swap3A_35] : memref<400x256xf32, #tpu.memory_space<vmem>>, vector<400x256xf32>
    tpu.vector_store %arg9[%swap3A, %swap3A_35], %select_n3A {strides = array<i32>} : memref<400x256xf32, #tpu.memory_space<vmem>>, vector<400x256xf32>,
    return
  }
  func.func @transform_0(%arg0: i32) -> (i32, i32) {
    %c0_i32 = arith.constant 0 : i32
    %c0_i32_0 = arith.constant 0 : i32
    return %arg0, %c0_i32 : i32, i32
  }
  func.func @transform_1(%arg0: i32) -> (i32, i32) {
    %c0_i32 = arith.constant 0 : i32
    %c0_i32_0 = arith.constant 0 : i32
    return %arg0, %c0_i32 : i32, i32
  }
  func.func @transform_2(%arg0: i32) -> (i32, i32) {
    %c0_i32 = arith.constant 0 : i32
    %c0_i32_0 = arith.constant 0 : i32
    return %arg0, %c0_i32 : i32, i32
  }
  func.func @transform_3(%arg0: i32) -> (i32, i32) {
    %c0_i32 = arith.constant 0 : i32
    %c0_i32_0 = arith.constant 0 : i32
    return %arg0, %c0_i32 : i32, i32
  }
  func.func @transform_4(%arg0: i32) -> (i32, i32) {
    %c0_i32 = arith.constant 0 : i32
    %c0_i32_0 = arith.constant 0 : i32
    return %arg0, %c0_i32 : i32, i32
  }
  func.func @transform_5(%arg0: i32) -> (i32, i32) {
    %c0_i32 = arith.constant 0 : i32
    %c0_i32_0 = arith.constant 0 : i32
    return %arg0, %c0_i32 : i32, i32
  }
  func.func @transform_6(%arg0: i32) -> (i32, i32) {
    %c0_i32 = arith.constant 0 : i32
    %c0_i32_0 = arith.constant 0 : i32
    %c0_i32_1 = arith.constant 0 : i32
    return %c0_i32, %c0_i32_0 : i32, i32
  }
  func.func @transform_7(%arg0: i32) -> (i32, i32) {
    %c0_i32 = arith.constant 0 : i32
    %c0_i32_0 = arith.constant 0 : i32
    %c0_i32_1 = arith.constant 0 : i32
    return %c0_i32, %c0_i32_0 : i32, i32
  }
  func.func @transform_8(%arg0: i32) -> (i32, i32) {
    %c0_i32 = arith.constant 0 : i32
    %c0_i32_0 = arith.constant 0 : i32
    return %arg0, %c0_i32 : i32, i32
  }
}

</mosaic_0001>

<sc_bundles>
// kernel: kernel.6.cloned.1.call-start
scs
__scs_entry_jumppad:
0x0: {  	(pc) =	sbr.rel $0x88, $3  }
0x1: {  	(tag) =	ssettag $0x0;
	lr =	simm.s32 $0x1  }
0x2: {  	[smem:$0x3F9C] =	sst lr;
	_ =	strace $0xD0000000  }
0x3: {  	_ = 	snop  }
0x4: {  	_ = 	snop  }
0x5: {  	_ = 	snop  }
0x6: {  	_ = 	snop  }
0x7: {  	_ = 	snop  }
__scs_overlays_trampoline_lowered:
0x8: {  	[smem:$0x3FAB] =	sst s0  }
0x9: {  	[smem:$0x3FAC] =	sst s1  }
0xa: {  	[smem:$0x3FAD] =	sst s2  }
0xb: {  	[smem:$0x3FAE] =	sst s3  }
0xc: {  	[smem:$0x3FAF] =	sst s4  }
0xd: {  	[smem:$0x3FB0] =	sst s5  }
0xe: {  	[smem:$0x3FB1] =	sst s6  }
0xf: {  	[smem:$0x3FB2] =	sst s7  }
0x10: {  	[smem:$0x3FB3] =	sst s8  }
0x11: {  	[smem:$0x3FB4] =	sst s9;
	s0 =	simm.s32 @!p0 $0x0  }
0x12: {  	s1 =	sld [smem:$0x3F9A];
	s0 =	simm.s32 @p0 $0x1  }
0x13: {  	[smem:$0x3FB5] =	sst s0;
	s0 =	simm.s32 @!p1 $0x0  }
0x14: {  	s2 =	sld [smem:$0x3F99];
	s0 =	simm.s32 @p1 $0x1  }
0x15: {  	[smem:$0x3FB6] =	sst s0;
	s0 =	simm.s32 @!p2 $0x0  }
0x16: {  	s3 =	sld [smem:$0x3FDB];
	s0 =	simm.s32 @p2 $0x1  }
0x17: {  	s4 =	simm.s32 $0x1BF5;
	[smem:$0x3FB8] =	sst s0  }
0x18: {  	s0 =	sld [smem:$0x3F9B];
	_ =	swait.ge [sflag:s4], $0x0  }
0x19: {  	s7 =	sld [smem:$0x3F9C]  }
0x1a: {  	s8 =	sadd.s32 $0xFFFFE003, lr  }
0x1b: {  	s9 =	sadd.s32 $0xFFFFFEF7, lr;
	s5 =	simm.s32 $0xFFFFFFFF;
	p2 =	slt.u32 s8, $0xFFFFF086  }
0x1c: {  	p1 =	slt.u32 s9, $0xF7A;
	s5 =	simm.s32 @!p2 $0x0  }
0x1d: {  	s5 =	simm.s32 @p1 $0x1;
	p0 =	seq.s32 s7, s2  }
0x1e: {  	s7 =	smul.u32 @!p0 $0xF7A, s2;
	p2 =	seq.s32 @!p0 s5, $0x0  }
0x1f: {  	s9 =	smul.u32 $0xF7A, s1;
	s8 =	simm.s32 @!p0 $0x1BF5;
	p2 =	por !p2, p0  }
0x20: {  	[sflag:s8] =	ssyncset.s32 @!p0 $0xFFFFF086;
	s6 =	sadd.s32 @!p0 s3, s7;
	s7 =	simm.s32 @!p0 $0x108  }
0x21: {  	s3 =	sadd.s32 s3, s9;
	s6 =	sadd.s32 @!p0 $0x88, s6;
	s7 =	simm.s32 @p2 $0x1082  }
0x22: {  	[simem:s7], [sflag:s8] =	dma.local @!p0 [hbm:s6], $0xF7A  }
0x23: {  	s9 =	sor.u32 $0xD0000000, s2;
	s6 =	simm.s32 $0x108;
	_ =	swait.ge @!p0 [sflag:s8], $0x0  }
0x24: {  	s3 =	sadd.s32 $0x88, s3;
	s6 =	simm.s32 @!p1 $0x1082;
	[sflag:s4] =	ssyncset.s32 $0xFFFFF086  }
0x25: {  	[simem:s6], [sflag:s4] =	dma.local [hbm:s3], $0xF7A  }
0x26: {  	[smem:$0x3F9C] =	sst s1;
	(tag) =	ssettag s2;
	_ =	strace s9  }
0x27: {  	s1 =	sld [smem:$0x3FAC]  }
0x28: {  	s2 =	sld [smem:$0x3FAD]  }
0x29: {  	s4 =	sld [smem:$0x3FAF]  }
0x2a: {  	p0 =	seq.s32 s5, $0x0;
	s5 =	sld [smem:$0x3FB0]  }
0x2b: {  	s6 =	sld [smem:$0x3FB1]  }
0x2c: {  	s7 =	sld [smem:$0x3FB2]  }
0x2d: {  	s3 =	simm.s32 $0x108;
	s8 =	sld [smem:$0x3FB3]  }
0x2e: {  	s3 =	simm.s32 @!p0 $0x1082;
	s9 =	sld [smem:$0x3FB4]  }
0x2f: {  	lr =	sadd.s32 s0, s3;
	s0 =	sld [smem:$0x3FAB]  }
0x30: {  	s3 =	sld [smem:$0x3FAE]  }
0x31: {  	[smem:$0x3FB7] =	sst s10  }
0x32: {  	s10 =	sld [smem:$0x3FB5];
	_ =	sdelay $0x3  }
0x33: {  	p0 =	seq.s32 s10, $0x1;
	s10 =	sld [smem:$0x3FB7];
	_ =	sdelay $0x3  }
0x34: {  	[smem:$0x3FB7] =	sst s10  }
0x35: {  	s10 =	sld [smem:$0x3FB6];
	_ =	sdelay $0x3  }
0x36: {  	p1 =	seq.s32 s10, $0x1;
	s10 =	sld [smem:$0x3FB7];
	_ =	sdelay $0x3  }
0x37: {  	[smem:$0x3FB7] =	sst s10  }
0x38: {  	s10 =	sld [smem:$0x3FB8]  }
0x39: {  	_ = 	snop;
	(pc) =	sbr.ind lr, $3  }
0x3a: {  	_ = 	snop  }
0x3b: {  	_ = 	snop  }
0x3c: {  	p2 =	seq.s32 s10, $0x1;
	s10 =	sld [smem:$0x3FB7]  }
0x3d: {  	_ =	shalt  }
0x3e: {  	_ =	shalt  }
0x3f: {  	_ =	shalt  }
0x40: {  	_ =	shalt  }
0x41: {  	_ =	shalt  }
0x42: {  	_ =	shalt  }
0x43: {  	_ =	shalt  }
0x44: {  	_ =	shalt  }
0x45: {  	_ =	shalt  }
0x46: {  	_ =	shalt  }
0x47: {  	_ =	shalt  }
0x48: {  	_ =	shalt  }
0x49: {  	_ =	shalt  }
0x4a: {  	_ =	shalt  }
0x4b: {  	_ =	shalt  }
0x4c: {  	_ =	shalt  }
0x4d: {  	_ =	shalt  }
0x4e: {  	_ =	shalt  }
0x4f: {  	_ =	shalt  }
0x50: {  	_ =	shalt  }
0x51: {  	_ =	shalt  }
0x52: {  	_ =	shalt  }
0x53: {  	_ =	shalt  }
0x54: {  	_ =	shalt  }
0x55: {  	_ =	shalt  }
0x56: {  	_ =	shalt  }
0x57: {  	_ =	shalt  }
0x58: {  	_ =	shalt  }
0x59: {  	_ =	shalt  }
0x5a: {  	_ =	shalt  }
0x5b: {  	_ =	shalt  }
0x5c: {  	_ =	shalt  }
0x5d: {  	_ =	shalt  }
0x5e: {  	_ =	shalt  }
0x5f: {  	_ =	shalt  }
0x60: {  	_ =	shalt  }
0x61: {  	_ =	shalt  }
0x62: {  	_ =	shalt  }
0x63: {  	_ =	shalt  }
0x64: {  	_ =	shalt  }
0x65: {  	_ =	shalt  }
0x66: {  	_ =	shalt  }
0x67: {  	_ =	shalt  }
0x68: {  	_ =	shalt  }
0x69: {  	_ =	shalt  }
0x6a: {  	_ =	shalt  }
0x6b: {  	_ =	shalt  }
0x6c: {  	_ =	shalt  }
0x6d: {  	_ =	shalt  }
0x6e: {  	_ =	shalt  }
0x6f: {  	_ =	shalt  }
0x70: {  	_ =	shalt  }
0x71: {  	_ =	shalt  }
0x72: {  	_ =	shalt  }
0x73: {  	_ =	shalt  }
0x74: {  	_ =	shalt  }
0x75: {  	_ =	shalt  }
0x76: {  	_ =	shalt  }
0x77: {  	_ =	shalt  }
0x78: {  	_ =	shalt  }
0x79: {  	_ =	shalt  }
0x7a: {  	_ =	shalt  }
0x7b: {  	_ =	shalt  }
0x7c: {  	_ =	shalt  }
0x7d: {  	_ =	shalt  }
0x7e: {  	_ =	shalt  }
0x7f: {  	_ =	shalt  }
0x80: {  	_ =	shalt  }
0x81: {  	_ =	shalt  }
0x82: {  	_ =	shalt  }
0x83: {  	_ =	shalt  }
0x84: {  	_ =	shalt  }
0x85: {  	_ =	shalt  }
0x86: {  	_ =	shalt  }
0x87: {  	_ =	shalt  }
.Lfunc_end0:
.L_simem_size_0:
called_computation_lowered:
.L_overlay_start_0:
0x88: {  	s2 =	sld [smem:$0x3FD9]  }
0x89: {  	s3 =	sld [smem:$0x3FFE];
	_ =	sdelay $0x1  }
0x8a: {  	s1 =	srdreg.scid  }
0x8b: {  	s0 =	sand.u32 $0x1, s1  }
0x8c: {  	s17 =	sshll.u32 s0, $0xA;
	s2 =	sadd.s32 s3, s2  }
0x8d: {  	s2 =	sadd.s32 s2, s17  }
0x8e: {  	[smem:$0x3FC3] =	sst s2  }
0x8f: {  	_ = 	snop  }
0x90: {  	s2 =	sld [smem:$0x3FD0];
	(tm) =	ssettm $0x1  }
0x91: {  	s18 =	sld [smem:$0x3FFB];
	_ =	sdelay $0x3  }
0x92: {  	_ =	strace s18  }
0x93: {  	s3 =	sld [smem:$0x3FFC];
	_ =	sdelay $0x3  }
0x94: {  	_ =	strace s3  }
0x95: {  	s3 =	sld [smem:$0x3FFD];
	_ =	sdelay $0x3  }
0x96: {  	_ =	strace s3  }
0x97: {  	_ =	strace $0x8FFFFFFF  }
0x98: {  	s19 =	sld [smem:$0x3FDB];
	_ =	sdelay $0x1  }
0x99: {  	s4 =	simm.s32 $_scs_section_size  }
0x9a: {  	s5 =	simm.s32 $_size__tile_overlayer_lowered;
	s6 =	simm.s32 $_tile_overlayer_lowered  }
0x9b: {  	s22 =	simm.s32 $0x1BFF;
	s21 =	sshll.u32 s6, $0x1;
	s3 =	sadd.s32 s4, s19  }
0x9c: {  	s7 =	simm.s32 $0x0;
	s20 =	sshll.u32 s5, $0x1;
	s5 =	sadd.s32 s21, s3  }
0x9d: {  	[timem:s7], [sflag:s22] =	dma.local [hbm:s5], s20  }
0x9e: {  	_ =	swait.ge [sflag:s22], s20  }
0x9f: {  	s4 =	ssub.s32 $0x0, s20;
	[sflag:s22] =	ssyncset.done $0x0  }
0xa0: {  	[sflag:s22] =	ssyncadd.s32 s4;
	_ =	sdelay $0x1  }
0xa1: {  	s23 =	simm.s32 $0x1B8B  }
0xa2: {  	_ =	swait.ge [sflag:s23], $0x1  }
0xa3: {  	[sflag:s23] =	ssyncset.done $0x0  }
0xa4: {  	s25 =	simm.s32 $0x1B8E;
	s24 =	sld [smem:$0x3FFE];
	[sflag:s23] =	ssyncadd.s32 $0xFFFFFFFF  }
0xa5: {  	s26 =	simm.s32 $execute0_lowered;
	[smem:$0x3FD2] =	sst s25  }
0xa6: {  	s5 =	sshll.u32 s26, $0x1;
	_ =	strace $0x80000046;
	[dreg:$0x1] =	wrdreg $0xFFFFFFFF  }
0xa7: {  	s28 =	simm.s32 $_size_execute0_lowered;
	s3 =	sadd.s32 s3, s5;
	[dreg:$0x0] =	wrdreg $0x0  }
0xa8: {  	s5 =	sshll.u32 s28, $0x1;
	[dreg:$0x2] =	wrdreg s3  }
0xa9: {  	[dreg:$0x3] =	wrdreg s5  }
0xaa: {  	[dreg:$0x4] =	wrdreg $0xC0  }
0xab: {  	_ =	task [dreg:s7], $0x5FFFF  }
0xac: {  	[dreg:$0x1] =	wrdreg $0xFFFFFFFF  }
0xad: {  	[dreg:$0x0] =	wrdreg $0x60  }
0xae: {  	[dreg:$0x2] =	wrdreg s24  }
0xaf: {  	[dreg:$0x3] =	wrdreg s2  }
0xb0: {  	[dreg:$0x4] =	wrdreg $0x0  }
0xb1: {  	[dreg:$0x5] =	wrdreg $0x9  }
0xb2: {  	_ =	task.clear_ibuf [dreg:s7], $0x6FFFF;
	_ =	strace $0x90000046  }
0xb3: {  	s29 =	simm.s32 $0x9;
	_ =	strace $0x80000048  }
0xb4: {  	_ =	swait.ge [sflag:s29], $0x1  }
0xb5: {  	[sflag:s29] =	ssyncadd.s32 $0xFFFFFFFF  }
0xb6: {  	_ =	strace $0x90000048  }
0xb7: {  	_ =	sfence  }
0xb8: {  	s30 =	sld [smem:$0x0];
	_ =	sdelay $0x2  }
0xb9: {  	s31 =	sshll.u32 s1, $0xD;
	s1 =	sshrl.u32 s1, $0x2  }
0xba: {  	s3 =	sand.u32 $0x4000, s31;
	s1 =	sadd.s32 s1, s30  }
0xbb: {  	s0 =	sor.u32 s3, s0;
	s1 =	sshll.u32 s1, $0x11  }
0xbc: {  	s0 =	sor.u32 s1, s0  }
0xbd: {  	s0 =	sadd.s32 $0x8F2B, s0  }
0xbe: {  	[sflag:s0] =	ssyncadd.remote.s32 $0x1  }
0xbf: {  	_ =	sfence.sel $0xFFFF  }
0xc0: {  	[dreg:$0x0] =	wrdreg $0xFFFFFFFF;
	(pc) =	sbr.abs _section_cstart, $3  }
0xc1: {  	[dreg:$0x1] =	wrdreg $0xFFFFFFFF  }
0xc2: {  	_ =	task.clear_ibuf [dreg:s7], $0x2FFFF;
	_ =	strace $0x9FFFFFFF  }
0xc3: {  	(tm) =	ssettm $0x7FFFFFFF  }
tec
execute0_lowered:
.L_overlay_start_1:
0x0: {  	(tag) =	ssettag $0x1  }
0x1: {  	s0 =	rddreg [dreg:$0x0]  }
0x2: {  	s7 =	rddreg [dreg:$0x1]  }
0x3: {  	s1 =	rddreg [dreg:$0x2]  }
0x4: {  	s2 =	srdreg.scid;
	s18 =	stileid.u32;
	s13 =	simm.s32 $0x7  }
0x5: {  	s16 =	simm.s32 $0x280;
	s17 =	simm.s32 $0x300;
	s19 =	simm.s32 $0x1  }
0x6: {  	s20 =	simm.s32 $0x80;
	s5 =	sand.u32 $0x1, s2;
	s2 =	simm.s32 $0x0  }
0x7: {  	s6 =	smul.u32 $0xA00, s18;
	s10 =	sadd.s32 $0x3200, s0;
	s21 =	sadd.s32 $0xD000, s0  }
0x8: {  	s0 =	sadd.s32 $0xD200, s0;
	s23 =	smul.u32 $0x4F, s18;
	s31 =	sshll.u32 s18, $0x6  }
0x9: {  	p0 =	sne.s32 s18, $0x0;
	s3 =	sshll.u32 s5, $0x4;
	s12 =	smul.u32 $0x4F0, s5  }
0xa: {  	[smem:$0x7FF] =	sst s2;
	s9 =	ssub.s32 $0x2, s5;
	s25 =	smul.u32 $0x500, s5  }
0xb: {  	s4 =	sor.u32 s18, s3;
	_ =	strace $0x80000047;
	[dreg:$0x4] =	wrdreg s21  }
0xc: {  	s14 =	sor.u32 $0x1C07, s31;
	[dreg:$0x5] =	wrdreg s0;
	s8 =	smul.u32 $0x4F0, s4  }
0xd: {  	s22 =	sshrl.u32 s9, $0x1;
	s6 =	sshrl.u32 s6, $0x2;
	s11 =	smul.u32 $0x2780, s4  }
0xe: {  	s0 =	ssub.s32 s9, s22;
	s15 =	sadd.s32 s6, s1;
	s26 =	sadd.s32 s23, s12  }
0xf: {  	s7 =	sadd.s32 s7, s25;
	s12 =	simm.s32 $0x480;
	s22 =	simm.s32 $0x2  }
0x10: {  	s23 =	simm.s32 $0x6;
	s25 =	simm.s32 $0x0;
	s29 =	sshll.u32 s26, $0x4  }
0x11: {  	s15 =	sshrl.u32 s15, $0x3;
	s24 =	sshrl.u32 s11, $0x3;
	s5 =	sadd.s32 s10, s8  }
0x12: {  	s8 =	smax.u32 s0, $0x1;
	s30 =	sadd.s32 s10, s29;
	s6 =	sadd.s32 s10, s24  }
0x13: {  	s9 =	sadd.s32 $0x20, s5;
	s10 =	sadd.s32 $0x30, s5;
	s28 =	sadd.s32 $0x10, s6  }
0x14: {  	s11 =	sadd.s32 $0x40, s30;
	s24 =	simm.s32 $0x5;
	[dreg:$0x6] =	wrdreg s28  }
.LBB2_1:
0x15: {  	s0 =	rddreg [dreg:$0x4]  }
0x16: {  	[tilespmem:s12], [sflag:$0x7] =	stream.linear.gather [hbm4b:s0+s2], $0x80, $0x38;
	[tilespmem:$0x500] =	vst v63  }
0x17: {  	_ =	swait.ge [sflag:s13], $0x80  }
0x18: {  	[sflag:s13] =	ssyncset.done $0x0  }
0x19: {  	s6 =	rddreg [dreg:$0x5];
	[sflag:s13] =	ssyncadd.s32 $0xFFFFFF80  }
0x1a: {  	[spmem:s15], [sflag:s14] =	dma.local [hbm:s6], $0x50  }
0x1b: {  	_ =	swait.ge [sflag:s13], $0x50  }
0x1c: {  	[sflag:s13] =	ssyncset.done $0x0  }
0x1d: {  	[sflag:s13] =	ssyncadd.s32 $0xFFFFFFB0  }
0x1e: {  	[bflag:$0x0] =	sbarrier.arrive $0xFFFF  }
0x1f: {  	[tilespmem:s16], [sflag:$0x1] =	stream.linear.gather [hbm4b:s5+s2], $0x80, $0x38;
	[tilespmem:$0x500] =	vst v63  }
0x20: {  	s18 =	rddreg [dreg:$0x6]  }
0x21: {  	[tilespmem:s17], [sflag:$0x2] =	stream.linear.gather [hbm4b:s18+s2], $0x80, $0x38;
	[tilespmem:$0x500] =	vst v63  }
0x22: {  	s21 =	simm.s32 $0x380  }
0x23: {  	[tilespmem:s21], [sflag:$0x3] =	stream.linear.gather [hbm4b:s9+s2], $0x80, $0x38;
	[tilespmem:$0x500] =	vst v63  }
0x24: {  	_ =	swait.ge [sflag:s19], $0x80  }
0x25: {  	[sflag:s19] =	ssyncset.done $0x0  }
0x26: {  	s26 =	simm.s32 $0x400;
	[sflag:s19] =	ssyncadd.s32 $0xFFFFFF80  }
0x27: {  	[spmem:s1] =	stream.indirect.scatter.add.f32 [tilespmem:s12], [sflag:$0x5], $0x1, s16, s20, $0xb8;
	[tilespmem:$0x500] =	vst v63  }
0x28: {  	s3 =	simm.s32 $0x2;
	p1 =	por $0x0, $0x0;
	s30 =	simm.s32 $0x3  }
0x29: {  	[tilespmem:s26], [sflag:$0x4] =	stream.linear.gather [hbm4b:s10+s2], $0x80, $0x38;
	[tilespmem:$0x500] =	vst v63  }
0x2a: {  	s31 =	simm.s32 $0x6;
	s0 =	sand.u32 $0x3, s3;
	_ =	swait.ge [sflag:s22], $0x80  }
0x2b: {  	s28 =	simm.s32 @!p1 $0x0;
	s21 =	sand.u32 $0x1, s3;
	[sflag:s22] =	ssyncset.done $0x0  }
0x2c: {  	s18 =	simm.s32 $0x4;
	s29 =	sadd.s32 $0x5, s21;
	[sflag:s22] =	ssyncadd.s32 $0xFFFFFF80  }
0x2d: {  	[spmem:s1] =	stream.indirect.scatter.add.f32 [tilespmem:s12], [sflag:$0x6], $0x1, s17, s20, $0xb8;
	[tilespmem:$0x500] =	vst v63  }
0x2e: {  	s4 =	sadd.s32 $0x1, s0;
	s18 =	sand.u32 @!p1 $0x3, s18;
	_ =	swait.ge [sflag:s29], $0x80  }
0x2f: {  	s6 =	sand.u32 $0x3, s30;
	s26 =	sshll.u32 @!p1 s18, $0x7;
	[sflag:s29] =	ssyncset.done $0x0  }
0x30: {  	s18 =	sadd.s32 @!p1 $0x1, s18;
	s26 =	sadd.s32 @!p1 $0x280, s26;
	[sflag:s29] =	ssyncadd.s32 $0xFFFFFF80  }
0x31: {  	[tilespmem:s26], [sflag:s18] =	stream.linear.gather @!p1 [hbm4b:s11+s28], $0x80, $0x38;
	[tilespmem:$0x500] =	vst v63  }
0x32: {  	s3 =	sshll.u32 s0, $0x7;
	s0 =	sshll.u32 s6, $0x7;
	_ =	swait.ge [sflag:s4], $0x80  }
0x33: {  	s21 =	sadd.s32 $0x280, s3;
	s18 =	simm.s32 $0x5;
	[sflag:s4] =	ssyncset.done $0x0  }
0x34: {  	s28 =	sadd.s32 $0x10, s11;
	s26 =	sadd.s32 $0x1, s6;
	[sflag:s4] =	ssyncadd.s32 $0xFFFFFF80  }
.LBB2_2:
0x35: {  	[spmem:s1] =	stream.indirect.scatter.add.f32 [tilespmem:s12], [sflag:s29], $0x1, s21, s20, $0xb8;
	[tilespmem:$0x500] =	vst v63  }
0x36: {  	s3 =	smov.u32 s31;
	s21 =	smov.u32 s0  }
0x37: {  	s0 =	sand.u32 $0x1, s30;
	p1 =	sgt.u32 s30, $0x4C;
	s30 =	sadd.s32 $0xFFFFFFFE, s31  }
0x38: {  	s4 =	sand.u32 $0x3, s30;
	s29 =	sadd.s32 $0x5, s0;
	s0 =	sand.u32 @!p1 $0x3, s18  }
0x39: {  	s18 =	sshll.u32 @!p1 s0, $0x7;
	s0 =	sadd.s32 @!p1 $0x1, s0;
	_ =	swait.ge [sflag:s29], $0x80  }
0x3a: {  	s31 =	sadd.s32 $0x1, s31;
	s18 =	sadd.s32 @!p1 $0x280, s18;
	[sflag:s29] =	ssyncset.done $0x0  }
0x3b: {  	s6 =	simm.s32 @!p1 $0x0;
	[sflag:s29] =	ssyncadd.s32 $0xFFFFFF80  }
0x3c: {  	[tilespmem:s18], [sflag:s0] =	stream.linear.gather @!p1 [hbm4b:s28+s6], $0x80, $0x38;
	[tilespmem:$0x500] =	vst v63  }
0x3d: {  	p1 =	sne.s32 s31, $0x51  }
.Ltmp0:
0x3e: {  	_ = 	snop;
	(pc) =	sbr.rel @p1 .LBB2_2-.Ltmp0, $4  }
0x3f: {  	_ = 	snop  }
0x40: {  	s0 =	sshll.u32 s4, $0x7;
	_ =	swait.ge [sflag:s26], $0x80  }
0x41: {  	s28 =	sadd.s32 $0x10, s28;
	s18 =	smov.u32 s3;
	[sflag:s26] =	ssyncset.done $0x0  }
0x42: {  	s21 =	sadd.s32 $0x280, s21;
	[sflag:s26] =	ssyncadd.s32 $0xFFFFFF80;
	s26 =	sadd.s32 $0x1, s4  }
0x43: {  	[spmem:s1] =	stream.indirect.scatter.add.f32 [tilespmem:s12], [sflag:s29], $0x1, s21, s20, $0xb8;
	[tilespmem:$0x500] =	vst v63  }
0x44: {  	s3 =	sand.u32 $0x1, s30  }
0x45: {  	p1 =	sgt.u32 s30, $0x4C;
	s3 =	sadd.s32 $0x5, s3  }
0x46: {  	s4 =	sand.u32 @!p1 $0x3, s18;
	_ =	swait.ge [sflag:s3], $0x80  }
0x47: {  	s18 =	simm.s32 @!p1 $0x0;
	s6 =	sshll.u32 @!p1 s4, $0x7;
	[sflag:s3] =	ssyncset.done $0x0  }
0x48: {  	s4 =	sadd.s32 @!p1 $0x1, s4;
	s6 =	sadd.s32 @!p1 $0x280, s6;
	[sflag:s3] =	ssyncadd.s32 $0xFFFFFF80  }
0x49: {  	[tilespmem:s6], [sflag:s4] =	stream.linear.gather @!p1 [hbm4b:s28+s18], $0x80, $0x38;
	[tilespmem:$0x500] =	vst v63  }
0x4a: {  	_ =	swait.ge [sflag:s26], $0x80  }
0x4b: {  	[sflag:s26] =	ssyncset.done $0x0  }
0x4c: {  	s0 =	sadd.s32 $0x280, s0;
	[sflag:s26] =	ssyncadd.s32 $0xFFFFFF80  }
0x4d: {  	[spmem:s1] =	stream.indirect.scatter.add.f32 [tilespmem:s12], [sflag:s3], $0x1, s0, s20, $0xb8;
	[tilespmem:$0x500] =	vst v63  }
0x4e: {  	_ =	swait.ge [sflag:s23], $0x80  }
0x4f: {  	[sflag:s23] =	ssyncset.done $0x0  }
0x50: {  	[sflag:s23] =	ssyncadd.s32 $0xFFFFFF80  }
0x51: {  	_ =	swait.ge [sflag:s24], $0x80  }
0x52: {  	[sflag:s24] =	ssyncset.done $0x0  }
0x53: {  	s25 =	sadd.s32 $0x1, s25;
	[sflag:s24] =	ssyncadd.s32 $0xFFFFFF80  }
0x54: {  	p1 =	sne.s32 s25, s8;
	s0 =	sshrl.u32 @!p0 s1, $0x3;
	[bflag:$0x0] =	sbarrier.arrive $0xFFFF  }
0x55: {  	[hbm:s7], [sflag:s14] =	dma.local @!p0 [spmem:s0], $0x500  }
.Ltmp1:
0x56: {  	_ = 	snop;
	(pc) =	sbr.rel @p1 .LBB2_1-.Ltmp1, $4  }
0x57: {  	s0 =	simm.s32 @!p0 $0x7  }
0x58: {  	_ =	swait.ge @!p0 [sflag:s0], $0x500  }
0x59: {  	[sflag:s0] =	ssyncset.done @!p0 $0x0  }
0x5a: {  	[sflag:s0] =	ssyncadd.s32 @!p0 $0xFFFFFB00  }
0x5b: {  	_ =	sfence.sel $0x180000  }
0x5c: {  	[bflag:$0x0] =	sbarrier.arrive $0xFFFF  }
0x5d: {  	_ =	strace $0x90000047  }
0x5e: {  	[bflag:$0x2] =	sbarrier.arrive $0xFFFF  }
0x5f: {  	s0 =	rddreg [dreg:$0x3]  }
0x60: {  	s0 =	sadd.s32 @!p0 $0x100000, s0  }
0x61: {  	[sflag:s0] =	ssyncadd.tile.s32 @!p0 $0x1;
	_ =	shalt  }
.Lfunc_end2:
_tile_overlayer_lowered:
.L_overlay_start_2:
0x62: {  	(tag) =	ssettag $0x2  }
0x63: {  	s0 =	rddreg [dreg:$0x0];
	s2 =	stileid.u32  }
0x64: {  	s1 =	rddreg [dreg:$0x1];
	p0 =	sne.s32 s2, $0x0  }
0x65: {  	s3 =	rddreg [dreg:$0x2];
	[bflag:$0x3] =	sbarrier.arrive $0xFFFF;
	s2 =	simm.s32 @!p0 $0x1C07  }
0x66: {  	[timem:s3], [sflag:s2] =	dma.local @!p0 [hbm:s0], s1  }
0x67: {  	s0 =	simm.s32 @!p0 $0x7  }
0x68: {  	_ =	swait.ge @!p0 [sflag:s0], s1  }
0x69: {  	s1 =	ssub.s32 @!p0 $0x0, s1;
	[sflag:s0] =	ssyncset.done @!p0 $0x0  }
0x6a: {  	[sflag:s0] =	ssyncadd.s32 @!p0 s1  }
0x6b: {  	[bflag:$0x3] =	sbarrier.arrive $0xFFFF  }
0x6c: {  	_ =	shalt  }

// kernel: kernel.9.cloned.1.call-start
scs
__scs_entry_jumppad:
0x0: {  	(pc) =	sbr.rel $0x88, $3  }
0x1: {  	(tag) =	ssettag $0x0;
	lr =	simm.s32 $0x1  }
0x2: {  	[smem:$0x3F9C] =	sst lr;
	_ =	strace $0xD0000000  }
0x3: {  	_ = 	snop  }
0x4: {  	_ = 	snop  }
0x5: {  	_ = 	snop  }
0x6: {  	_ = 	snop  }
0x7: {  	_ = 	snop  }
__scs_overlays_trampoline_lowered:
0x8: {  	[smem:$0x3FAB] =	sst s0  }
0x9: {  	[smem:$0x3FAC] =	sst s1  }
0xa: {  	[smem:$0x3FAD] =	sst s2  }
0xb: {  	[smem:$0x3FAE] =	sst s3  }
0xc: {  	[smem:$0x3FAF] =	sst s4  }
0xd: {  	[smem:$0x3FB0] =	sst s5  }
0xe: {  	[smem:$0x3FB1] =	sst s6  }
0xf: {  	[smem:$0x3FB2] =	sst s7  }
0x10: {  	[smem:$0x3FB3] =	sst s8  }
0x11: {  	[smem:$0x3FB4] =	sst s9;
	s0 =	simm.s32 @!p0 $0x0  }
0x12: {  	s1 =	sld [smem:$0x3F9A];
	s0 =	simm.s32 @p0 $0x1  }
0x13: {  	[smem:$0x3FB5] =	sst s0;
	s0 =	simm.s32 @!p1 $0x0  }
0x14: {  	s2 =	sld [smem:$0x3F99];
	s0 =	simm.s32 @p1 $0x1  }
0x15: {  	[smem:$0x3FB6] =	sst s0;
	s0 =	simm.s32 @!p2 $0x0  }
0x16: {  	s3 =	sld [smem:$0x3FDB];
	s0 =	simm.s32 @p2 $0x1  }
0x17: {  	s4 =	simm.s32 $0x1BF5;
	[smem:$0x3FB8] =	sst s0  }
0x18: {  	s0 =	sld [smem:$0x3F9B];
	_ =	swait.ge [sflag:s4], $0x0  }
0x19: {  	s7 =	sld [smem:$0x3F9C]  }
0x1a: {  	s8 =	sadd.s32 $0xFFFFE003, lr  }
0x1b: {  	s9 =	sadd.s32 $0xFFFFFEF7, lr;
	s5 =	simm.s32 $0xFFFFFFFF;
	p2 =	slt.u32 s8, $0xFFFFF086  }
0x1c: {  	p1 =	slt.u32 s9, $0xF7A;
	s5 =	simm.s32 @!p2 $0x0  }
0x1d: {  	s5 =	simm.s32 @p1 $0x1;
	p0 =	seq.s32 s7, s2  }
0x1e: {  	s7 =	smul.u32 @!p0 $0xF7A, s2;
	p2 =	seq.s32 @!p0 s5, $0x0  }
0x1f: {  	s9 =	smul.u32 $0xF7A, s1;
	s8 =	simm.s32 @!p0 $0x1BF5;
	p2 =	por !p2, p0  }
0x20: {  	[sflag:s8] =	ssyncset.s32 @!p0 $0xFFFFF086;
	s6 =	sadd.s32 @!p0 s3, s7;
	s7 =	simm.s32 @!p0 $0x108  }
0x21: {  	s3 =	sadd.s32 s3, s9;
	s6 =	sadd.s32 @!p0 $0x88, s6;
	s7 =	simm.s32 @p2 $0x1082  }
0x22: {  	[simem:s7], [sflag:s8] =	dma.local @!p0 [hbm:s6], $0xF7A  }
0x23: {  	s9 =	sor.u32 $0xD0000000, s2;
	s6 =	simm.s32 $0x108;
	_ =	swait.ge @!p0 [sflag:s8], $0x0  }
0x24: {  	s3 =	sadd.s32 $0x88, s3;
	s6 =	simm.s32 @!p1 $0x1082;
	[sflag:s4] =	ssyncset.s32 $0xFFFFF086  }
0x25: {  	[simem:s6], [sflag:s4] =	dma.local [hbm:s3], $0xF7A  }
0x26: {  	[smem:$0x3F9C] =	sst s1;
	(tag) =	ssettag s2;
	_ =	strace s9  }
0x27: {  	s1 =	sld [smem:$0x3FAC]  }
0x28: {  	s2 =	sld [smem:$0x3FAD]  }
0x29: {  	s4 =	sld [smem:$0x3FAF]  }
0x2a: {  	p0 =	seq.s32 s5, $0x0;
	s5 =	sld [smem:$0x3FB0]  }
0x2b: {  	s6 =	sld [smem:$0x3FB1]  }
0x2c: {  	s7 =	sld [smem:$0x3FB2]  }
0x2d: {  	s3 =	simm.s32 $0x108;
	s8 =	sld [smem:$0x3FB3]  }
0x2e: {  	s3 =	simm.s32 @!p0 $0x1082;
	s9 =	sld [smem:$0x3FB4]  }
0x2f: {  	lr =	sadd.s32 s0, s3;
	s0 =	sld [smem:$0x3FAB]  }
0x30: {  	s3 =	sld [smem:$0x3FAE]  }
0x31: {  	[smem:$0x3FB7] =	sst s10  }
0x32: {  	s10 =	sld [smem:$0x3FB5];
	_ =	sdelay $0x3  }
0x33: {  	p0 =	seq.s32 s10, $0x1;
	s10 =	sld [smem:$0x3FB7];
	_ =	sdelay $0x3  }
0x34: {  	[smem:$0x3FB7] =	sst s10  }
0x35: {  	s10 =	sld [smem:$0x3FB6];
	_ =	sdelay $0x3  }
0x36: {  	p1 =	seq.s32 s10, $0x1;
	s10 =	sld [smem:$0x3FB7];
	_ =	sdelay $0x3  }
0x37: {  	[smem:$0x3FB7] =	sst s10  }
0x38: {  	s10 =	sld [smem:$0x3FB8]  }
0x39: {  	_ = 	snop;
	(pc) =	sbr.ind lr, $3  }
0x3a: {  	_ = 	snop  }
0x3b: {  	_ = 	snop  }
0x3c: {  	p2 =	seq.s32 s10, $0x1;
	s10 =	sld [smem:$0x3FB7]  }
0x3d: {  	_ =	shalt  }
0x3e: {  	_ =	shalt  }
0x3f: {  	_ =	shalt  }
0x40: {  	_ =	shalt  }
0x41: {  	_ =	shalt  }
0x42: {  	_ =	shalt  }
0x43: {  	_ =	shalt  }
0x44: {  	_ =	shalt  }
0x45: {  	_ =	shalt  }
0x46: {  	_ =	shalt  }
0x47: {  	_ =	shalt  }
0x48: {  	_ =	shalt  }
0x49: {  	_ =	shalt  }
0x4a: {  	_ =	shalt  }
0x4b: {  	_ =	shalt  }
0x4c: {  	_ =	shalt  }
0x4d: {  	_ =	shalt  }
0x4e: {  	_ =	shalt  }
0x4f: {  	_ =	shalt  }
0x50: {  	_ =	shalt  }
0x51: {  	_ =	shalt  }
0x52: {  	_ =	shalt  }
0x53: {  	_ =	shalt  }
0x54: {  	_ =	shalt  }
0x55: {  	_ =	shalt  }
0x56: {  	_ =	shalt  }
0x57: {  	_ =	shalt  }
0x58: {  	_ =	shalt  }
0x59: {  	_ =	shalt  }
0x5a: {  	_ =	shalt  }
0x5b: {  	_ =	shalt  }
0x5c: {  	_ =	shalt  }
0x5d: {  	_ =	shalt  }
0x5e: {  	_ =	shalt  }
0x5f: {  	_ =	shalt  }
0x60: {  	_ =	shalt  }
0x61: {  	_ =	shalt  }
0x62: {  	_ =	shalt  }
0x63: {  	_ =	shalt  }
0x64: {  	_ =	shalt  }
0x65: {  	_ =	shalt  }
0x66: {  	_ =	shalt  }
0x67: {  	_ =	shalt  }
0x68: {  	_ =	shalt  }
0x69: {  	_ =	shalt  }
0x6a: {  	_ =	shalt  }
0x6b: {  	_ =	shalt  }
0x6c: {  	_ =	shalt  }
0x6d: {  	_ =	shalt  }
0x6e: {  	_ =	shalt  }
0x6f: {  	_ =	shalt  }
0x70: {  	_ =	shalt  }
0x71: {  	_ =	shalt  }
0x72: {  	_ =	shalt  }
0x73: {  	_ =	shalt  }
0x74: {  	_ =	shalt  }
0x75: {  	_ =	shalt  }
0x76: {  	_ =	shalt  }
0x77: {  	_ =	shalt  }
0x78: {  	_ =	shalt  }
0x79: {  	_ =	shalt  }
0x7a: {  	_ =	shalt  }
0x7b: {  	_ =	shalt  }
0x7c: {  	_ =	shalt  }
0x7d: {  	_ =	shalt  }
0x7e: {  	_ =	shalt  }
0x7f: {  	_ =	shalt  }
0x80: {  	_ =	shalt  }
0x81: {  	_ =	shalt  }
0x82: {  	_ =	shalt  }
0x83: {  	_ =	shalt  }
0x84: {  	_ =	shalt  }
0x85: {  	_ =	shalt  }
0x86: {  	_ =	shalt  }
0x87: {  	_ =	shalt  }
.Lfunc_end0:
.L_simem_size_0:
called_computation.1_lowered:
.L_overlay_start_0:
0x88: {  	s2 =	sld [smem:$0x3FD9]  }
0x89: {  	s3 =	sld [smem:$0x3FFE];
	_ =	sdelay $0x1  }
0x8a: {  	s1 =	srdreg.scid  }
0x8b: {  	s0 =	sand.u32 $0x1, s1  }
0x8c: {  	s16 =	sshll.u32 s0, $0xA;
	s2 =	sadd.s32 s3, s2  }
0x8d: {  	s2 =	sadd.s32 s2, s16  }
0x8e: {  	[smem:$0x3FC3] =	sst s2  }
0x8f: {  	_ = 	snop  }
0x90: {  	(tm) =	ssettm $0x1  }
0x91: {  	s17 =	sld [smem:$0x3FFB];
	_ =	sdelay $0x3  }
0x92: {  	_ =	strace s17  }
0x93: {  	s2 =	sld [smem:$0x3FFC];
	_ =	sdelay $0x3  }
0x94: {  	_ =	strace s2  }
0x95: {  	s2 =	sld [smem:$0x3FFD];
	_ =	sdelay $0x3  }
0x96: {  	_ =	strace s2  }
0x97: {  	_ =	strace $0x8FFFFFFF  }
0x98: {  	s18 =	sld [smem:$0x3FDB];
	_ =	sdelay $0x1  }
0x99: {  	s19 =	simm.s32 $_scs_section_size  }
0x9a: {  	s4 =	simm.s32 $_size__tile_overlayer_lowered;
	s5 =	simm.s32 $_tile_overlayer_lowered  }
0x9b: {  	s22 =	simm.s32 $0x1BFF;
	s21 =	sshll.u32 s5, $0x1;
	s2 =	sadd.s32 s19, s18  }
0x9c: {  	s6 =	simm.s32 $0x0;
	s20 =	sshll.u32 s4, $0x1;
	s4 =	sadd.s32 s21, s2  }
0x9d: {  	[timem:s6], [sflag:s22] =	dma.local [hbm:s4], s20  }
0x9e: {  	_ =	swait.ge [sflag:s22], s20  }
0x9f: {  	s3 =	ssub.s32 $0x0, s20;
	[sflag:s22] =	ssyncset.done $0x0  }
0xa0: {  	[sflag:s22] =	ssyncadd.s32 s3;
	_ =	sdelay $0x1  }
0xa1: {  	s23 =	simm.s32 $0x1B8B  }
0xa2: {  	_ =	swait.ge [sflag:s23], $0x1  }
0xa3: {  	[sflag:s23] =	ssyncset.done $0x0  }
0xa4: {  	s25 =	simm.s32 $0x1B8E;
	s24 =	sld [smem:$0x3FFE];
	[sflag:s23] =	ssyncadd.s32 $0xFFFFFFFF  }
0xa5: {  	s26 =	simm.s32 $execute0_lowered;
	[smem:$0x3FD2] =	sst s25  }
0xa6: {  	s4 =	sshll.u32 s26, $0x1;
	_ =	strace $0x80000049;
	[dreg:$0x1] =	wrdreg $0xFFFFFFFF  }
0xa7: {  	s28 =	simm.s32 $_size_execute0_lowered;
	s2 =	sadd.s32 s2, s4;
	[dreg:$0x0] =	wrdreg $0x0  }
0xa8: {  	s4 =	sshll.u32 s28, $0x1;
	[dreg:$0x2] =	wrdreg s2  }
0xa9: {  	[dreg:$0x3] =	wrdreg s4  }
0xaa: {  	[dreg:$0x4] =	wrdreg $0xC0  }
0xab: {  	_ =	task [dreg:s6], $0x5FFFF  }
0xac: {  	[dreg:$0x1] =	wrdreg $0xFFFFFFFF  }
0xad: {  	[dreg:$0x0] =	wrdreg $0x60  }
0xae: {  	[dreg:$0x2] =	wrdreg s24  }
0xaf: {  	[dreg:$0x3] =	wrdreg $0x0  }
0xb0: {  	[dreg:$0x4] =	wrdreg $0x9  }
0xb1: {  	_ =	task.clear_ibuf [dreg:s6], $0x5FFFF;
	_ =	strace $0x90000049  }
0xb2: {  	s29 =	simm.s32 $0x9;
	_ =	strace $0x8000004B  }
0xb3: {  	_ =	swait.ge [sflag:s29], $0x1  }
0xb4: {  	[sflag:s29] =	ssyncadd.s32 $0xFFFFFFFF  }
0xb5: {  	_ =	strace $0x9000004B  }
0xb6: {  	_ =	sfence  }
0xb7: {  	s30 =	sld [smem:$0x0];
	_ =	sdelay $0x2  }
0xb8: {  	s31 =	sshll.u32 s1, $0xD;
	s1 =	sshrl.u32 s1, $0x2  }
0xb9: {  	s3 =	sand.u32 $0x4000, s31;
	s1 =	sadd.s32 s1, s30  }
0xba: {  	s0 =	sor.u32 s3, s0;
	s1 =	sshll.u32 s1, $0x11  }
0xbb: {  	s0 =	sor.u32 s1, s0  }
0xbc: {  	s0 =	sadd.s32 $0x8F2B, s0  }
0xbd: {  	[sflag:s0] =	ssyncadd.remote.s32 $0x1  }
0xbe: {  	_ =	sfence.sel $0xFFFF  }
0xbf: {  	[dreg:$0x0] =	wrdreg $0xFFFFFFFF;
	(pc) =	sbr.abs _section_cstart, $3  }
0xc0: {  	[dreg:$0x1] =	wrdreg $0xFFFFFFFF  }
0xc1: {  	_ =	task.clear_ibuf [dreg:s6], $0x2FFFF;
	_ =	strace $0x9FFFFFFF  }
0xc2: {  	(tm) =	ssettm $0x7FFFFFFF  }
0xc3: {  	_ =	shalt  }
tec
execute0_lowered:
.L_overlay_start_1:
0x0: {  	(tag) =	ssettag $0x1  }
0x1: {  	s0 =	rddreg [dreg:$0x0]  }
0x2: {  	s1 =	rddreg [dreg:$0x1];
	s2 =	simm.s32 $0x0;
	s7 =	srdreg.scid  }
0x3: {  	s4 =	stileid.u32;
	s28 =	simm.s32 $0x1;
	[smem:$0x7FF] =	sst s2  }
0x4: {  	s3 =	sadd.s32 $0xD400, s0;
	s9 =	sadd.s32 $0x3200, s0;
	s18 =	sadd.s32 $0x17200, s0  }
0x5: {  	s5 =	sadd.s32 $0x3E400, s0;
	s6 =	sadd.s32 $0x65600, s0;
	s8 =	smul.u32 $0x50000, s4  }
0x6: {  	s10 =	sand.u32 $0x1, s7;
	s11 =	sadd.s32 $0x65E00, s0;
	s13 =	smul.u32 $0x9E0, s4  }
0x7: {  	s0 =	sadd.s32 $0x8DE00, s0;
	s24 =	sshll.u32 s4, $0x6;
	s25 =	smul.u32 $0x2800, s4  }
0x8: {  	_ =	strace $0x8000004A;
	s7 =	ssub.s32 $0x2, s10;
	[dreg:$0x3] =	wrdreg s18  }
0x9: {  	p0 =	seq.s32 s10, $0x1;
	[dreg:$0x4] =	wrdreg s5;
	s10 =	simm.s32 $0x14280  }
0xa: {  	s12 =	sshrl.u32 s7, $0x1;
	s23 =	sshrl.u32 s8, $0x2;
	s8 =	sor.u32 $0x1C09, s24  }
0xb: {  	s14 =	sor.u32 $0x10, s13;
	s19 =	sadd.s32 s3, s13;
	s20 =	sadd.s32 s9, s13  }
0xc: {  	s17 =	sadd.s32 $0x20, s13;
	s13 =	sadd.s32 $0x30, s13;
	[dreg:$0x7] =	wrdreg s20  }
0xd: {  	s11 =	smov.u32 @p0 s0;
	s15 =	sadd.s32 s3, s14;
	[dreg:$0x6] =	wrdreg s19  }
0xe: {  	s18 =	smov.u32 @p0 s5;
	s14 =	sadd.s32 s9, s14;
	[dreg:$0x8] =	wrdreg s15  }
0xf: {  	s12 =	ssub.s32 s7, s12;
	s7 =	sadd.s32 s23, s1;
	[dreg:$0x9] =	wrdreg s14  }
0x10: {  	s22 =	sadd.s32 s3, s17;
	s23 =	sadd.s32 s9, s17;
	[dreg:$0x5] =	wrdreg s7  }
0x11: {  	s3 =	sadd.s32 s3, s13;
	s24 =	sadd.s32 s9, s13;
	[dreg:$0xb] =	wrdreg s22  }
0x12: {  	s0 =	sadd.s32 s11, s25;
	s25 =	sadd.s32 $0x40, s20;
	[dreg:$0xc] =	wrdreg s23  }
0x13: {  	s21 =	sadd.s32 $0x40, s19;
	s13 =	simm.s32 $0x80;
	[dreg:$0xd] =	wrdreg s3  }
0x14: {  	s9 =	simm.s32 $0x6;
	s26 =	smax.u32 s12, $0x1;
	[dreg:$0xe] =	wrdreg s24  }
0x15: {  	s29 =	sadd.s32 $0x4000, s7;
	s30 =	sadd.s32 $0x8000, s7;
	[dreg:$0xf] =	wrdreg s0  }
0x16: {  	s31 =	sadd.s32 $0xC000, s7;
	s16 =	sadd.s32 $0x10000, s7;
	[dreg:$0x10] =	wrdreg s25  }
0x17: {  	s0 =	simm.s32 $0x2;
	[dreg:$0xa] =	wrdreg s26;
	s26 =	sshrl.u32 s29, $0x3  }
0x18: {  	s3 =	simm.s32 $0x40;
	s29 =	sshrl.u32 s30, $0x3;
	[dreg:$0x11] =	wrdreg s26  }
0x19: {  	s14 =	simm.s32 $0x18400;
	s30 =	sshrl.u32 s31, $0x3;
	[dreg:$0x12] =	wrdreg s29  }
0x1a: {  	s12 =	simm.s32 $0x5;
	s31 =	sshrl.u32 s16, $0x3;
	[dreg:$0x13] =	wrdreg s30  }
0x1b: {  	s15 =	simm.s32 $0x0;
	[dreg:$0x14] =	wrdreg s31;
	s26 =	simm.s32 $0x9  }
.LBB2_1:
0x1c: {  	s4 =	rddreg [dreg:$0x5]  }
0x1d: {  	s16 =	sshrl.u32 s4, $0x3  }
0x1e: {  	[spmem:s16], [sflag:s8] =	dma.local [hbm:s6], $0x800  }
0x1f: {  	_ =	swait.ge [sflag:s26], $0x800  }
0x20: {  	[sflag:s26] =	ssyncset.done $0x0  }
0x21: {  	s11 =	rddreg [dreg:$0x11];
	[sflag:s26] =	ssyncadd.s32 $0xFFFFF800  }
0x22: {  	[spmem:s11], [sflag:s8] =	dma.local [hbm:s6], $0x800  }
0x23: {  	_ =	swait.ge [sflag:s26], $0x800  }
0x24: {  	[sflag:s26] =	ssyncset.done $0x0  }
0x25: {  	s17 =	rddreg [dreg:$0x12];
	[sflag:s26] =	ssyncadd.s32 $0xFFFFF800  }
0x26: {  	[spmem:s17], [sflag:s8] =	dma.local [hbm:s6], $0x800  }
0x27: {  	_ =	swait.ge [sflag:s26], $0x800  }
0x28: {  	[sflag:s26] =	ssyncset.done $0x0  }
0x29: {  	s19 =	rddreg [dreg:$0x13];
	[sflag:s26] =	ssyncadd.s32 $0xFFFFF800  }
0x2a: {  	[spmem:s19], [sflag:s8] =	dma.local [hbm:s6], $0x800  }
0x2b: {  	_ =	swait.ge [sflag:s26], $0x800  }
0x2c: {  	[sflag:s26] =	ssyncset.done $0x0  }
0x2d: {  	s20 =	rddreg [dreg:$0x14];
	[sflag:s26] =	ssyncadd.s32 $0xFFFFF800  }
0x2e: {  	[spmem:s20], [sflag:s8] =	dma.local [hbm:s6], $0x800  }
0x2f: {  	_ =	swait.ge [sflag:s26], $0x800  }
0x30: {  	[sflag:s26] =	ssyncset.done $0x0  }
0x31: {  	[sflag:s26] =	ssyncadd.s32 $0xFFFFF800  }
0x32: {  	[bflag:$0x0] =	sbarrier.arrive $0xFFFF  }
0x33: {  	s5 =	simm.s32 $0x14000;
	s22 =	rddreg [dreg:$0x6]  }
0x34: {  	[tilespmem:s5], [sflag:$0x1] =	stream.linear.gather [hbm4b:s22+s2], $0x80, $0x38;
	[tilespmem:$0x1C400] =	vst v63  }
0x35: {  	s23 =	rddreg [dreg:$0x7];
	s5 =	simm.s32 $0x14200  }
0x36: {  	[tilespmem:s5], [sflag:$0x1] =	stream.linear.gather [hbm4b:s23+s2], $0x80, $0x38;
	[tilespmem:$0x1C400] =	vst v63  }
0x37: {  	s7 =	simm.s32 $0x14080;
	s24 =	rddreg [dreg:$0x8]  }
0x38: {  	[tilespmem:s7], [sflag:$0x2] =	stream.linear.gather [hbm4b:s24+s2], $0x80, $0x38;
	[tilespmem:$0x1C400] =	vst v63  }
0x39: {  	s25 =	rddreg [dreg:$0x9]  }
0x3a: {  	[tilespmem:s10], [sflag:$0x2] =	stream.linear.gather [hbm4b:s25+s2], $0x80, $0x38;
	[tilespmem:$0x1C400] =	vst v63  }
0x3b: {  	s17 =	simm.s32 $0x14100;
	s11 =	rddreg [dreg:$0xb]  }
0x3c: {  	[tilespmem:s17], [sflag:$0x3] =	stream.linear.gather [hbm4b:s11+s2], $0x80, $0x38;
	[tilespmem:$0x1C400] =	vst v63  }
0x3d: {  	s20 =	simm.s32 $0x14300;
	s19 =	rddreg [dreg:$0xc]  }
0x3e: {  	[tilespmem:s20], [sflag:$0x3] =	stream.linear.gather [hbm4b:s19+s2], $0x80, $0x38;
	[tilespmem:$0x1C400] =	vst v63  }
0x3f: {  	_ =	swait.ge [sflag:s28], $0x80  }
0x40: {  	[sflag:s28] =	ssyncset.done $0x0  }
0x41: {  	[sflag:s28] =	ssyncadd.s32 $0xFFFFFF80  }
0x42: {  	_ =	swait.ge [sflag:s28], $0x80  }
0x43: {  	s11 =	simm.s32 @p0 $0x40;
	s17 =	simm.s32 @p0 $0x14000;
	[sflag:s28] =	ssyncset.done $0x0  }
0x44: {  	s19 =	simm.s32 @p0 $0x14400;
	s4 =	rddreg [dreg:$0x4];
	[sflag:s28] =	ssyncadd.s32 $0xFFFFFF80  }
0x45: {  	[tilespmem:s19], [sflag:$0x5] =	stream.indirect.gather @p0 [hbm4b:s4+s11], $0x80, s17, s11, $0xb8;
	[tilespmem:$0x1C400] =	vst v63  }
0x46: {  	s17 =	simm.s32 @p0 $0x14040;
	s19 =	simm.s32 @p0 $0x16400  }
0x47: {  	[tilespmem:s19], [sflag:$0x5] =	stream.indirect.gather @p0 [hbm4b:s4+s11], $0x80, s17, s11, $0xb8;
	[tilespmem:$0x1C400] =	vst v63  }
0x48: {  	s11 =	simm.s32 @!p0 $0x40  }
0x49: {  	s17 =	simm.s32 @!p0 $0x14000;
	s19 =	simm.s32 @!p0 $0x14400;
	s4 =	rddreg [dreg:$0x3]  }
0x4a: {  	[tilespmem:s19], [sflag:$0x5] =	stream.indirect.gather @!p0 [hbm4b:s4+s11], $0x80, s17, s11, $0xb8;
	[tilespmem:$0x1C400] =	vst v63  }
0x4b: {  	s17 =	simm.s32 @!p0 $0x14040;
	s19 =	simm.s32 @!p0 $0x16400  }
0x4c: {  	[tilespmem:s19], [sflag:$0x5] =	stream.indirect.gather @!p0 [hbm4b:s4+s11], $0x80, s17, s11, $0xb8;
	[tilespmem:$0x1C400] =	vst v63  }
0x4d: {  	s23 =	simm.s32 $0x14180;
	s22 =	rddreg [dreg:$0xd]  }
0x4e: {  	[tilespmem:s23], [sflag:$0x4] =	stream.linear.gather [hbm4b:s22+s2], $0x80, $0x38;
	[tilespmem:$0x1C400] =	vst v63  }
0x4f: {  	s25 =	simm.s32 $0x14380;
	s24 =	rddreg [dreg:$0xe]  }
0x50: {  	[tilespmem:s25], [sflag:$0x4] =	stream.linear.gather [hbm4b:s24+s2], $0x80, $0x38;
	[tilespmem:$0x1C400] =	vst v63  }
0x51: {  	_ =	swait.ge [sflag:s0], $0x80  }
0x52: {  	[sflag:s0] =	ssyncset.done $0x0  }
0x53: {  	[sflag:s0] =	ssyncadd.s32 $0xFFFFFF80  }
0x54: {  	_ =	swait.ge [sflag:s0], $0x80  }
0x55: {  	[sflag:s0] =	ssyncset.done $0x0  }
0x56: {  	[sflag:s0] =	ssyncadd.s32 $0xFFFFFF80  }
0x57: {  	[tilespmem:s14], [sflag:$0x6] =	stream.indirect.gather [hbm4b:s18+s3], $0x80, s7, s3, $0xb8;
	[tilespmem:$0x1C400] =	vst v63  }
0x58: {  	s11 =	simm.s32 $0x140C0;
	s14 =	simm.s32 $0x1A400  }
0x59: {  	[tilespmem:s14], [sflag:$0x6] =	stream.indirect.gather [hbm4b:s18+s3], $0x80, s11, s3, $0xb8;
	[tilespmem:$0x1C400] =	vst v63  }
0x5a: {  	_ =	swait.ge [sflag:s12], $0x2000  }
0x5b: {  	[sflag:s12] =	ssyncset.done $0x0  }
0x5c: {  	[sflag:s12] =	ssyncadd.s32 $0xFFFFE000  }
0x5d: {  	p1 =	por $0x0, $0x0;
	_ =	swait.ge [sflag:s12], $0x2000  }
0x5e: {  	s29 =	simm.s32 $0x5;
	s19 =	simm.s32 $0x2;
	[sflag:s12] =	ssyncset.done $0x0  }
0x5f: {  	s17 =	simm.s32 $0x14400;
	s20 =	sand.u32 $0x1, s19;
	[sflag:s12] =	ssyncadd.s32 $0xFFFFE000  }
0x60: {  	[spmem:s1] =	stream.indirect.scatter.add.f32 [tilespmem:s17], [sflag:$0x7], $0x80, s5, s13, $0xb8;
	[tilespmem:$0x1C400] =	vst v63  }
0x61: {  	s22 =	sadd.s32 $0x7, s20;
	s30 =	sshll.u32 s20, $0xE;
	s17 =	simm.s32 $0x4  }
0x62: {  	s11 =	sand.u32 $0x3, s19;
	s17 =	sand.u32 @!p1 $0x3, s17;
	_ =	swait.ge [sflag:s22], $0x4000  }
0x63: {  	s23 =	sshll.u32 @!p1 s17, $0x7;
	[sflag:s22] =	ssyncset.done $0x0;
	s17 =	sadd.s32 @!p1 $0x1, s17  }
0x64: {  	s24 =	sor.u32 @!p1 $0x14000, s23;
	[sflag:s22] =	ssyncadd.s32 $0xFFFFC000;
	s22 =	simm.s32 @!p1 $0x0  }
0x65: {  	[tilespmem:s24], [sflag:s17] =	stream.linear.gather @!p1 [hbm4b:s21+s22], $0x80, $0x38;
	[tilespmem:$0x1C400] =	vst v63  }
0x66: {  	s4 =	rddreg [dreg:$0x10];
	s23 =	sor.u32 @!p1 $0x14200, s23;
	s24 =	sadd.s32 $0x1, s11  }
0x67: {  	[tilespmem:s23], [sflag:s17] =	stream.linear.gather @!p1 [hbm4b:s4+s22], $0x80, $0x38;
	[tilespmem:$0x1C400] =	vst v63  }
0x68: {  	s25 =	simm.s32 $0xA00;
	s14 =	sadd.s32 $0x5, s20;
	_ =	swait.ge [sflag:s24], $0x80  }
0x69: {  	s19 =	sadd.s32 $0x14400, s30;
	s5 =	sxor.u32 $0x1, s20;
	[sflag:s24] =	ssyncset.done $0x0  }
0x6a: {  	s31 =	sadd.s32 $0x5, s5;
	s11 =	sshll.u32 s11, $0x7;
	[sflag:s24] =	ssyncadd.s32 $0xFFFFFF80  }
0x6b: {  	s20 =	sor.u32 $0x14000, s11;
	s11 =	sor.u32 $0x14040, s11;
	_ =	swait.ge [sflag:s24], $0x80  }
0x6c: {  	s23 =	simm.s32 $0x6;
	s22 =	sand.u32 $0x600, s25;
	[sflag:s24] =	ssyncset.done $0x0  }
0x6d: {  	s17 =	simm.s32 $0xC00;
	s22 =	sshrl.u32 s22, $0x2;
	[sflag:s24] =	ssyncadd.s32 $0xFFFFFF80  }
0x6e: {  	[tilespmem:s19], [sflag:s14] =	stream.indirect.gather [hbm4b:s18+s3], $0x80, s20, s3, $0xb8;
	[tilespmem:$0x1C400] =	vst v63  }
0x6f: {  	s25 =	sor.u32 $0x14200, s22;
	s22 =	sadd.s32 $0x16400, s30;
	s30 =	simm.s32 $0x3  }
0x70: {  	[tilespmem:s22], [sflag:s14] =	stream.indirect.gather [hbm4b:s18+s3], $0x80, s11, s3, $0xb8;
	[tilespmem:$0x1C400] =	vst v63  }
0x71: {  	s24 =	sshll.u32 s5, $0xE;
	s19 =	sadd.s32 $0x10, s21;
	_ =	swait.ge [sflag:s31], $0x2000  }
0x72: {  	s22 =	sadd.s32 $0x10, s4;
	s11 =	sadd.s32 $0x7, s5;
	[sflag:s31] =	ssyncset.done $0x0  }
.LBB2_2:
0x73: {  	s7 =	sand.u32 $0x1, s30  }
0x74: {  	[sflag:s31] =	ssyncadd.s32 $0xFFFFE000;
	s10 =	sadd.s32 $0x14400, s24;
	s14 =	smov.u32 s23  }
0x75: {  	p2 =	sgt.u32 s30, $0x9B;
	s5 =	sadd.s32 $0x7, s7;
	_ =	swait.ge [sflag:s31], $0x2000  }
0x76: {  	s29 =	sand.u32 @!p2 $0x3, s29;
	s4 =	sshll.u32 s7, $0xE;
	[sflag:s31] =	ssyncset.done $0x0  }
0x77: {  	s20 =	sxor.u32 $0x1, s7;
	s24 =	sshll.u32 @!p2 s29, $0x7;
	[sflag:s31] =	ssyncadd.s32 $0xFFFFE000  }
0x78: {  	[spmem:s1] =	stream.indirect.scatter.add.f32 [tilespmem:s10], [sflag:s11], $0x80, s25, s13, $0xb8;
	[tilespmem:$0x1C400] =	vst v63  }
0x79: {  	s10 =	sor.u32 @!p2 $0x14000, s24;
	s11 =	sor.u32 @!p2 $0x14200, s24;
	_ =	swait.ge [sflag:s5], $0x4000  }
0x7a: {  	s23 =	sadd.s32 $0x1, s23;
	s24 =	sshll.u32 s20, $0xE;
	[sflag:s5] =	ssyncset.done $0x0  }
0x7b: {  	s25 =	simm.s32 @!p2 $0x0;
	[sflag:s5] =	ssyncadd.s32 $0xFFFFC000;
	s5 =	sadd.s32 @!p2 $0x1, s29  }
0x7c: {  	[tilespmem:s10], [sflag:s5] =	stream.linear.gather @!p2 [hbm4b:s19+s25], $0x80, $0x38;
	[tilespmem:$0x1C400] =	vst v63  }
0x7d: {  	p1 =	sne.s32 s23, $0xA0;
	s29 =	sand.u32 $0x600, s17;
	s10 =	sand.u32 $0x3, s30  }
0x7e: {  	[tilespmem:s11], [sflag:s5] =	stream.linear.gather @!p2 [hbm4b:s22+s25], $0x80, $0x38;
	[tilespmem:$0x1C400] =	vst v63  }
0x7f: {  	s5 =	sadd.s32 $0x1, s10;
	s10 =	sshll.u32 s10, $0x7;
	s11 =	sshrl.u32 s29, $0x2  }
0x80: {  	s29 =	smov.u32 s14;
	_ =	swait.ge [sflag:s5], $0x80  }
0x81: {  	[sflag:s5] =	ssyncset.done $0x0  }
0x82: {  	[sflag:s5] =	ssyncadd.s32 $0xFFFFFF80  }
0x83: {  	s19 =	sadd.s32 $0x10, s19;
	_ =	swait.ge [sflag:s5], $0x80  }
0x84: {  	s7 =	sadd.s32 $0x5, s7;
	s25 =	sor.u32 $0x14200, s11;
	[sflag:s5] =	ssyncset.done $0x0  }
0x85: {  	s11 =	sor.u32 $0x14000, s10;
	[sflag:s5] =	ssyncadd.s32 $0xFFFFFF80;
	s5 =	sadd.s32 $0x14400, s4  }
0x86: {  	[tilespmem:s5], [sflag:s7] =	stream.indirect.gather [hbm4b:s18+s3], $0x80, s11, s3, $0xb8;
	[tilespmem:$0x1C400] =	vst v63  }
.Ltmp0:
0x87: {  	_ = 	snop;
	(pc) =	sbr.rel @p1 .LBB2_2-.Ltmp0, $4  }
0x88: {  	s31 =	sadd.s32 $0x5, s20;
	s4 =	sadd.s32 $0x16400, s4;
	s5 =	sor.u32 $0x14040, s10  }
0x89: {  	[tilespmem:s4], [sflag:s7] =	stream.indirect.gather [hbm4b:s18+s3], $0x80, s5, s3, $0xb8;
	[tilespmem:$0x1C400] =	vst v63  }
0x8a: {  	s17 =	sadd.s32 $0x200, s17;
	s22 =	sadd.s32 $0x10, s22;
	_ =	swait.ge [sflag:s31], $0x2000  }
0x8b: {  	s30 =	sadd.s32 $0xFFFFFFFE, s29;
	s11 =	sadd.s32 $0x7, s20;
	[sflag:s31] =	ssyncset.done $0x0  }
0x8c: {  	[sflag:s31] =	ssyncadd.s32 $0xFFFFE000  }
0x8d: {  	s4 =	sand.u32 $0x1, s30;
	_ =	swait.ge [sflag:s31], $0x2000  }
0x8e: {  	s5 =	sadd.s32 $0x14400, s24;
	p1 =	sgt.u32 s30, $0x9B;
	[sflag:s31] =	ssyncset.done $0x0  }
0x8f: {  	s20 =	sadd.s32 $0x7, s4;
	s7 =	sand.u32 @!p1 $0x3, s29;
	[sflag:s31] =	ssyncadd.s32 $0xFFFFE000  }
0x90: {  	[spmem:s1] =	stream.indirect.scatter.add.f32 [tilespmem:s5], [sflag:s11], $0x80, s25, s13, $0xb8;
	[tilespmem:$0x1C400] =	vst v63  }
0x91: {  	s10 =	sshll.u32 @!p1 s7, $0x7;
	_ =	swait.ge [sflag:s20], $0x4000  }
0x92: {  	s23 =	sand.u32 $0x3, s30;
	s11 =	sor.u32 @!p1 $0x14000, s10;
	[sflag:s20] =	ssyncset.done $0x0  }
0x93: {  	s5 =	sadd.s32 @!p1 $0x1, s7;
	s7 =	simm.s32 @!p1 $0x0;
	[sflag:s20] =	ssyncadd.s32 $0xFFFFC000  }
0x94: {  	[tilespmem:s11], [sflag:s5] =	stream.linear.gather @!p1 [hbm4b:s19+s7], $0x80, $0x38;
	[tilespmem:$0x1C400] =	vst v63  }
0x95: {  	s24 =	sadd.s32 $0x1, s23;
	s10 =	sor.u32 @!p1 $0x14200, s10  }
0x96: {  	[tilespmem:s10], [sflag:s5] =	stream.linear.gather @!p1 [hbm4b:s22+s7], $0x80, $0x38;
	[tilespmem:$0x1C400] =	vst v63  }
0x97: {  	_ =	swait.ge [sflag:s24], $0x80  }
0x98: {  	[sflag:s24] =	ssyncset.done $0x0  }
0x99: {  	[sflag:s24] =	ssyncadd.s32 $0xFFFFFF80  }
0x9a: {  	s29 =	sshll.u32 s23, $0x7;
	s30 =	sadd.s32 $0x5, s4;
	_ =	swait.ge [sflag:s24], $0x80  }
0x9b: {  	s14 =	sor.u32 $0x14000, s29;
	s25 =	sshll.u32 s4, $0xE;
	[sflag:s24] =	ssyncset.done $0x0  }
0x9c: {  	s4 =	sxor.u32 $0x1, s4;
	s31 =	sadd.s32 $0x14400, s25;
	[sflag:s24] =	ssyncadd.s32 $0xFFFFFF80  }
0x9d: {  	[tilespmem:s31], [sflag:s30] =	stream.indirect.gather [hbm4b:s18+s3], $0x80, s14, s3, $0xb8;
	[tilespmem:$0x1C400] =	vst v63  }
0x9e: {  	s20 =	sor.u32 $0x14040, s29;
	s19 =	sadd.s32 $0x16400, s25;
	s22 =	sadd.s32 $0x5, s4  }
0x9f: {  	[tilespmem:s19], [sflag:s30] =	stream.indirect.gather [hbm4b:s18+s3], $0x80, s20, s3, $0xb8;
	[tilespmem:$0x1C400] =	vst v63  }
0xa0: {  	_ =	swait.ge [sflag:s22], $0x2000  }
0xa1: {  	[sflag:s22] =	ssyncset.done $0x0  }
0xa2: {  	s23 =	sand.u32 $0x600, s17;
	[sflag:s22] =	ssyncadd.s32 $0xFFFFE000  }
0xa3: {  	s7 =	sshrl.u32 s23, $0x2;
	_ =	swait.ge [sflag:s22], $0x2000  }
0xa4: {  	s7 =	sor.u32 $0x14200, s7;
	s24 =	sshll.u32 s4, $0xE;
	[sflag:s22] =	ssyncset.done $0x0  }
0xa5: {  	s4 =	sadd.s32 $0x7, s4;
	s5 =	sadd.s32 $0x14400, s24;
	[sflag:s22] =	ssyncadd.s32 $0xFFFFE000  }
0xa6: {  	[spmem:s1] =	stream.indirect.scatter.add.f32 [tilespmem:s5], [sflag:s4], $0x80, s7, s13, $0xb8;
	[tilespmem:$0x1C400] =	vst v63  }
0xa7: {  	_ =	swait.ge [sflag:s9], $0x2000  }
0xa8: {  	[sflag:s9] =	ssyncset.done $0x0  }
0xa9: {  	[sflag:s9] =	ssyncadd.s32 $0xFFFFE000  }
0xaa: {  	_ =	swait.ge [sflag:s9], $0x2000  }
0xab: {  	s25 =	simm.s32 $0x7;
	[sflag:s9] =	ssyncset.done $0x0  }
0xac: {  	s10 =	simm.s32 $0x14280;
	s14 =	simm.s32 $0x18400;
	[sflag:s9] =	ssyncadd.s32 $0xFFFFE000  }
0xad: {  	[spmem:s1] =	stream.indirect.scatter.add.f32 [tilespmem:s14], [sflag:$0x8], $0x80, s10, s13, $0xb8;
	[tilespmem:$0x1C400] =	vst v63  }
0xae: {  	_ =	swait.ge [sflag:s25], $0x4000  }
0xaf: {  	[sflag:s25] =	ssyncset.done $0x0  }
0xb0: {  	s29 =	simm.s32 $0x8;
	[sflag:s25] =	ssyncadd.s32 $0xFFFFC000  }
0xb1: {  	_ =	swait.ge [sflag:s29], $0x4000  }
0xb2: {  	[sflag:s29] =	ssyncset.done $0x0  }
0xb3: {  	[sflag:s29] =	ssyncadd.s32 $0xFFFFC000  }
0xb4: {  	[bflag:$0x0] =	sbarrier.arrive $0xFFFF  }
0xb5: {  	s30 =	rddreg [dreg:$0xf]  }
0xb6: {  	[hbm:s30], [sflag:s8] =	dma.local [spmem:s16], $0x2800  }
0xb7: {  	_ =	swait.ge [sflag:s26], $0x2800  }
0xb8: {  	s15 =	sadd.s32 $0x1, s15;
	s31 =	rddreg [dreg:$0xa]  }
0xb9: {  	p1 =	sne.s32 s15, s31  }
.Ltmp1:
0xba: {  	_ = 	snop;
	(pc) =	sbr.rel @p1 .LBB2_1-.Ltmp1, $3  }
0xbb: {  	_ =	sdelay $0x1  }
0xbc: {  	[sflag:s26] =	ssyncset.done $0x0  }
0xbd: {  	[sflag:s26] =	ssyncadd.s32 $0xFFFFD800  }
0xbe: {  	_ =	sfence.sel $0x180000  }
0xbf: {  	[bflag:$0x0] =	sbarrier.arrive $0xFFFF  }
0xc0: {  	_ =	strace $0x9000004A  }
0xc1: {  	s0 =	stileid.u32;
	[bflag:$0x2] =	sbarrier.arrive $0xFFFF  }
0xc2: {  	p0 =	sne.s32 s0, $0x0;
	s0 =	rddreg [dreg:$0x2]  }
0xc3: {  	s0 =	sadd.s32 @!p0 $0x100000, s0  }
0xc4: {  	[sflag:s0] =	ssyncadd.tile.s32 @!p0 $0x1;
	_ =	shalt  }
.Lfunc_end2:
_tile_overlayer_lowered:
.L_overlay_start_2:
0xc5: {  	(tag) =	ssettag $0x2  }
0xc6: {  	s0 =	rddreg [dreg:$0x0];
	s2 =	stileid.u32  }
0xc7: {  	s1 =	rddreg [dreg:$0x1];
	p0 =	sne.s32 s2, $0x0  }
0xc8: {  	s3 =	rddreg [dreg:$0x2];
	[bflag:$0x3] =	sbarrier.arrive $0xFFFF;
	s2 =	simm.s32 @!p0 $0x1C09  }
0xc9: {  	[timem:s3], [sflag:s2] =	dma.local @!p0 [hbm:s0], s1  }
0xca: {  	s0 =	simm.s32 @!p0 $0x9  }
0xcb: {  	_ =	swait.ge @!p0 [sflag:s0], s1  }
0xcc: {  	s1 =	ssub.s32 @!p0 $0x0, s1;
	[sflag:s0] =	ssyncset.done @!p0 $0x0  }
0xcd: {  	[sflag:s0] =	ssyncadd.s32 @!p0 s1  }
0xce: {  	[bflag:$0x3] =	sbarrier.arrive $0xFFFF  }
0xcf: {  	_ =	shalt  }

</sc_bundles>
